<compile_context>
chip_gen: v7x
topology: tpu7x:2x2x1
jax: 0.10.2.dev20260603
libtpu: 0.0.44.dev20260713+nightly
codegen_flags: <defaults>
</compile_context>

<pallas_src>
import functools

import jax
import jax.numpy as jnp
from jax import lax
from jax.experimental import pallas as pl
from jax.experimental.pallas import tpu as pltpu
from jax.experimental.pallas import tpu_sc as plsc

BATCH = 16384
EMBED_DIM = 32
NUM_WORKERS = 32
B_PER_W = BATCH // NUM_WORKERS
IDX_CHUNK = 128
N_CHUNKS = B_PER_W // IDX_CHUNK
LANES = 16


@functools.lru_cache(maxsize=1)
def _make_sc_kernel():
  mesh = plsc.VectorSubcoreMesh(core_axis_name="c", subcore_axis_name="s")

  @functools.partial(
      pl.kernel,
      mesh=mesh,
      compiler_params=pltpu.CompilerParams(
          needs_layout_passes=False, use_tc_tiling_on_sc=False),
      out_type=jax.ShapeDtypeStruct((BATCH,), jnp.float32),
      scratch_types=[
          pltpu.VMEM((N_CHUNKS, IDX_CHUNK), jnp.int32),
          pltpu.VMEM((N_CHUNKS, IDX_CHUNK), jnp.int32),
          pltpu.VMEM((B_PER_W, EMBED_DIM), jnp.float32),
          pltpu.VMEM((B_PER_W, EMBED_DIM), jnp.float32),
          pltpu.VMEM((B_PER_W,), jnp.float32),
          pltpu.SemaphoreType.DMA,
      ],
  )
  def sc_kernel(central_hbm, context_hbm, table_hbm, out_hbm,
                cidx_v, xidx_v, crows_v, xrows_v, out_v, sem):
    wid = lax.axis_index("s") * 2 + lax.axis_index("c")
    base = wid * B_PER_W

    for c in range(N_CHUNKS):
      off = base + c * IDX_CHUNK
      pltpu.sync_copy(central_hbm.at[pl.ds(off, IDX_CHUNK)], cidx_v.at[c])
      pltpu.sync_copy(context_hbm.at[pl.ds(off, IDX_CHUNK)], xidx_v.at[c])

    copies = []
    for c in range(N_CHUNKS):
      dst = pl.ds(c * IDX_CHUNK, IDX_CHUNK)
      copies.append(pltpu.async_copy(table_hbm.at[cidx_v.at[c]],
                                     crows_v.at[dst], sem))
      copies.append(pltpu.async_copy(table_hbm.at[xidx_v.at[c]],
                                     xrows_v.at[dst], sem))
    for cp in copies:
      cp.wait()

    lanes = lax.iota(jnp.int32, LANES)

    def block_body(b, carry):
      rbase = b * LANES
      acc = jnp.zeros((LANES,), jnp.float32)
      for u in range(LANES):
        r = rbase + u
        c0 = crows_v[r, pl.ds(0, LANES)]
        c1 = crows_v[r, pl.ds(LANES, LANES)]
        x0 = xrows_v[r, pl.ds(0, LANES)]
        x1 = xrows_v[r, pl.ds(LANES, LANES)]
        s = jnp.sum(c0 * x0 + c1 * x1)
        acc = jnp.where(lanes == u, s, acc)
      out_v[pl.ds(rbase, LANES)] = acc
      return carry

    lax.fori_loop(0, B_PER_W // LANES, block_body, 0)

    pltpu.sync_copy(out_v, out_hbm.at[pl.ds(base, B_PER_W)])

  return sc_kernel


def kernel(central_idx, context_idx, embeddings):
  central_idx = central_idx.astype(jnp.int32)
  context_idx = context_idx.astype(jnp.int32)
  return _make_sc_kernel()(central_idx, context_idx, embeddings)

# --- scband reference (transcript-rebuilt; emitter-appended) ---
"""Pipeline reference for scband-listing-embedding-model-84035330113670 (READ-ONLY COPY).

The authoritative reference and input builder live on the scoring server;
editing this copy changes nothing except your own understanding.
"""

import jax, jax.numpy as jnp
import numpy as np

NUM_LISTINGS = 1000000
EMBED_DIM = 32
BATCH = 16384

def setup_inputs(seed: int = 0) -> dict:
    key = jax.random.key(seed)
    k1, k2, k3 = jax.random.split(key, 3)
    central_idx = jax.random.randint(k1, (BATCH,), 0, NUM_LISTINGS, dtype=jnp.int64 if jax.config.read('jax_enable_x64') else jnp.int32)
    context_idx = jax.random.randint(k2, (BATCH,), 0, NUM_LISTINGS, dtype=jnp.int64 if jax.config.read('jax_enable_x64') else jnp.int32)
    # Embedding table initialized as in the torch module: normal(mean=0, std=0.1)
    embeddings = jax.random.normal(k3, (NUM_LISTINGS, EMBED_DIM), dtype=jnp.float32) * 0.1
    return {"central_idx": central_idx, "context_idx": context_idx, "embeddings": embeddings}

def reference(central_idx, context_idx, embeddings):
    # Faithful translation of ListingEmbeddingModel.forward (dropout is identity at inference).
    central_emb = jnp.take(embeddings, central_idx, axis=0)
    context_emb = jnp.take(embeddings, context_idx, axis=0)
    logits = jnp.sum(central_emb * context_emb, axis=1)
    return logits

if __name__ == "__main__":
    import jax
    _d = setup_inputs()
    print(jax.jit(kernel)(*tuple(_d.values())))

</pallas_src>

<mosaic_0001>
#map = affine_map<(d0, d1) -> (0)>
#map1 = affine_map<(d0, d1) -> (0, 0)>
module attributes {stable_mosaic.version = 14 : i64} {
  func.func @sc_kernel(%arg0: i32, %arg1: i32, %arg2: memref<16384xi32, #tpu.memory_space<hbm>>, %arg3: memref<16384xi32, #tpu.memory_space<hbm>>, %arg4: memref<1000000x32xf32, #tpu.memory_space<hbm>>, %arg5: memref<16384xf32, #tpu.memory_space<hbm>>, %arg6: memref<4x128xi32, #tpu.memory_space<vmem>>, %arg7: memref<4x128xi32, #tpu.memory_space<vmem>>, %arg8: memref<512x32xf32, #tpu.memory_space<vmem>>, %arg9: memref<512x32xf32, #tpu.memory_space<vmem>>, %arg10: memref<512xf32, #tpu.memory_space<vmem>>, %arg11: memref<!tpu.dma_semaphore, #tpu.memory_space<semaphore_mem>>) attributes {dimension_semantics = [#tpu.dimension_semantics<core_parallel>, #tpu.dimension_semantics<subcore_parallel>], iteration_bounds = array<i64: 2, 16>, scalar_prefetch = 0 : i64, scratch_operands = 6 : i64, tpu.core_type = #tpu.core_type<sc_vector_subcore>, window_params = [{transform_indices = #map}, {transform_indices = #map}, {transform_indices = #map1}, {transform_indices = #map}]} {
    %mul3A = arith.constant 2 : i32
    %mul3A_0 = arith.muli %arg1, %mul3A : i32
    %add3A = arith.addi %mul3A_0, %arg0 : i32
    %mul3A_1 = arith.constant 512 : i32
    %mul3A_2 = arith.muli %add3A, %mul3A_1 : i32
    %add3A_3 = arith.constant 0 : i32
    %add3A_4 = arith.addi %mul3A_2, %add3A_3 : i32
    %run_scoped3A = arith.constant 0 : i32
    "tpu.region"() ({
      %run_scoped3A_181 = tpu.sem_alloc : memref<!tpu.dma_semaphore, #tpu.memory_space<semaphore_mem>>
      %dma_start3A_182 = arith.constant 0 : i32
      %dma_start3A_183 = tpu.memref_slice %arg6[%run_scoped3A, %dma_start3A_182] : memref<4x128xi32, #tpu.memory_space<vmem>> -> memref<1x128xi32, #tpu.memory_space<vmem>>
      %dma_start3A_184 = tpu.memref_squeeze %dma_start3A_183 : memref<1x128xi32, #tpu.memory_space<vmem>> -> memref<128xi32, #tpu.memory_space<vmem>>
      %dma_start3A_185 = tpu.memref_slice %arg2[%add3A_4] : memref<16384xi32, #tpu.memory_space<hbm>> -> memref<128xi32, #tpu.memory_space<hbm>>
      %dma_start3A_186 = arith.constant 0 : i32
      %dma_start3A_187 = tpu.memref_slice %arg6[%run_scoped3A, %dma_start3A_186] : memref<4x128xi32, #tpu.memory_space<vmem>> -> memref<1x128xi32, #tpu.memory_space<vmem>>
      %dma_start3A_188 = tpu.memref_squeeze %dma_start3A_187 : memref<1x128xi32, #tpu.memory_space<vmem>> -> memref<128xi32, #tpu.memory_space<vmem>>
      %dma_start3A_189 = tpu.memref_slice %arg2[%add3A_4] : memref<16384xi32, #tpu.memory_space<hbm>> -> memref<128xi32, #tpu.memory_space<hbm>>
      tpu.enqueue_dma source(%dma_start3A_189 : memref<128xi32, #tpu.memory_space<hbm>>) target(%dma_start3A_188 : memref<128xi32, #tpu.memory_space<vmem>>) target_semaphore(%run_scoped3A_181 : memref<!tpu.dma_semaphore, #tpu.memory_space<semaphore_mem>>)
      %dma_wait3A_190 = arith.constant 0 : i32
      %dma_wait3A_191 = tpu.memref_slice %arg6[%run_scoped3A, %dma_wait3A_190] : memref<4x128xi32, #tpu.memory_space<vmem>> -> memref<1x128xi32, #tpu.memory_space<vmem>>
      %dma_wait3A_192 = tpu.memref_squeeze %dma_wait3A_191 : memref<1x128xi32, #tpu.memory_space<vmem>> -> memref<128xi32, #tpu.memory_space<vmem>>
      %dma_wait3A_193 = tpu.memref_slice %arg2[%add3A_4] : memref<16384xi32, #tpu.memory_space<hbm>> -> memref<128xi32, #tpu.memory_space<hbm>>
      %dma_wait3A_194 = arith.constant 0 : i32
      %dma_wait3A_195 = tpu.memref_slice %arg6[%run_scoped3A, %dma_wait3A_194] : memref<4x128xi32, #tpu.memory_space<vmem>> -> memref<1x128xi32, #tpu.memory_space<vmem>>
      %dma_wait3A_196 = tpu.memref_squeeze %dma_wait3A_195 : memref<1x128xi32, #tpu.memory_space<vmem>> -> memref<128xi32, #tpu.memory_space<vmem>>
      %dma_wait3A_197 = tpu.memref_slice %arg2[%add3A_4] : memref<16384xi32, #tpu.memory_space<hbm>> -> memref<128xi32, #tpu.memory_space<hbm>>
      tpu.wait_dma2 semaphore(%run_scoped3A_181 : memref<!tpu.dma_semaphore, #tpu.memory_space<semaphore_mem>>) src(%dma_wait3A_197 : memref<128xi32, #tpu.memory_space<hbm>>) dst(%dma_wait3A_196 : memref<128xi32, #tpu.memory_space<vmem>>)
      tpu.yield
    }) : () -> ()
    %run_scoped3A_5 = arith.constant 0 : i32
    "tpu.region"() ({
      %run_scoped3A_181 = tpu.sem_alloc : memref<!tpu.dma_semaphore, #tpu.memory_space<semaphore_mem>>
      %dma_start3A_182 = arith.constant 0 : i32
      %dma_start3A_183 = tpu.memref_slice %arg7[%run_scoped3A_5, %dma_start3A_182] : memref<4x128xi32, #tpu.memory_space<vmem>> -> memref<1x128xi32, #tpu.memory_space<vmem>>
      %dma_start3A_184 = tpu.memref_squeeze %dma_start3A_183 : memref<1x128xi32, #tpu.memory_space<vmem>> -> memref<128xi32, #tpu.memory_space<vmem>>
      %dma_start3A_185 = tpu.memref_slice %arg3[%add3A_4] : memref<16384xi32, #tpu.memory_space<hbm>> -> memref<128xi32, #tpu.memory_space<hbm>>
      %dma_start3A_186 = arith.constant 0 : i32
      %dma_start3A_187 = tpu.memref_slice %arg7[%run_scoped3A_5, %dma_start3A_186] : memref<4x128xi32, #tpu.memory_space<vmem>> -> memref<1x128xi32, #tpu.memory_space<vmem>>
      %dma_start3A_188 = tpu.memref_squeeze %dma_start3A_187 : memref<1x128xi32, #tpu.memory_space<vmem>> -> memref<128xi32, #tpu.memory_space<vmem>>
      %dma_start3A_189 = tpu.memref_slice %arg3[%add3A_4] : memref<16384xi32, #tpu.memory_space<hbm>> -> memref<128xi32, #tpu.memory_space<hbm>>
      tpu.enqueue_dma source(%dma_start3A_189 : memref<128xi32, #tpu.memory_space<hbm>>) target(%dma_start3A_188 : memref<128xi32, #tpu.memory_space<vmem>>) target_semaphore(%run_scoped3A_181 : memref<!tpu.dma_semaphore, #tpu.memory_space<semaphore_mem>>)
      %dma_wait3A_190 = arith.constant 0 : i32
      %dma_wait3A_191 = tpu.memref_slice %arg7[%run_scoped3A_5, %dma_wait3A_190] : memref<4x128xi32, #tpu.memory_space<vmem>> -> memref<1x128xi32, #tpu.memory_space<vmem>>
      %dma_wait3A_192 = tpu.memref_squeeze %dma_wait3A_191 : memref<1x128xi32, #tpu.memory_space<vmem>> -> memref<128xi32, #tpu.memory_space<vmem>>
      %dma_wait3A_193 = tpu.memref_slice %arg3[%add3A_4] : memref<16384xi32, #tpu.memory_space<hbm>> -> memref<128xi32, #tpu.memory_space<hbm>>
      %dma_wait3A_194 = arith.constant 0 : i32
      %dma_wait3A_195 = tpu.memref_slice %arg7[%run_scoped3A_5, %dma_wait3A_194] : memref<4x128xi32, #tpu.memory_space<vmem>> -> memref<1x128xi32, #tpu.memory_space<vmem>>
      %dma_wait3A_196 = tpu.memref_squeeze %dma_wait3A_195 : memref<1x128xi32, #tpu.memory_space<vmem>> -> memref<128xi32, #tpu.memory_space<vmem>>
      %dma_wait3A_197 = tpu.memref_slice %arg3[%add3A_4] : memref<16384xi32, #tpu.memory_space<hbm>> -> memref<128xi32, #tpu.memory_space<hbm>>
      tpu.wait_dma2 semaphore(%run_scoped3A_181 : memref<!tpu.dma_semaphore, #tpu.memory_space<semaphore_mem>>) src(%dma_wait3A_197 : memref<128xi32, #tpu.memory_space<hbm>>) dst(%dma_wait3A_196 : memref<128xi32, #tpu.memory_space<vmem>>)
      tpu.yield
    }) : () -> ()
    %add3A_6 = arith.constant 128 : i32
    %add3A_7 = arith.addi %mul3A_2, %add3A_6 : i32
    %run_scoped3A_8 = arith.constant 1 : i32
    "tpu.region"() ({
      %run_scoped3A_181 = tpu.sem_alloc : memref<!tpu.dma_semaphore, #tpu.memory_space<semaphore_mem>>
      %dma_start3A_182 = arith.constant 0 : i32
      %dma_start3A_183 = tpu.memref_slice %arg6[%run_scoped3A_8, %dma_start3A_182] : memref<4x128xi32, #tpu.memory_space<vmem>> -> memref<1x128xi32, #tpu.memory_space<vmem>>
      %dma_start3A_184 = tpu.memref_squeeze %dma_start3A_183 : memref<1x128xi32, #tpu.memory_space<vmem>> -> memref<128xi32, #tpu.memory_space<vmem>>
      %dma_start3A_185 = tpu.memref_slice %arg2[%add3A_7] : memref<16384xi32, #tpu.memory_space<hbm>> -> memref<128xi32, #tpu.memory_space<hbm>>
      %dma_start3A_186 = arith.constant 0 : i32
      %dma_start3A_187 = tpu.memref_slice %arg6[%run_scoped3A_8, %dma_start3A_186] : memref<4x128xi32, #tpu.memory_space<vmem>> -> memref<1x128xi32, #tpu.memory_space<vmem>>
      %dma_start3A_188 = tpu.memref_squeeze %dma_start3A_187 : memref<1x128xi32, #tpu.memory_space<vmem>> -> memref<128xi32, #tpu.memory_space<vmem>>
      %dma_start3A_189 = tpu.memref_slice %arg2[%add3A_7] : memref<16384xi32, #tpu.memory_space<hbm>> -> memref<128xi32, #tpu.memory_space<hbm>>
      tpu.enqueue_dma source(%dma_start3A_189 : memref<128xi32, #tpu.memory_space<hbm>>) target(%dma_start3A_188 : memref<128xi32, #tpu.memory_space<vmem>>) target_semaphore(%run_scoped3A_181 : memref<!tpu.dma_semaphore, #tpu.memory_space<semaphore_mem>>)
      %dma_wait3A_190 = arith.constant 0 : i32
      %dma_wait3A_191 = tpu.memref_slice %arg6[%run_scoped3A_8, %dma_wait3A_190] : memref<4x128xi32, #tpu.memory_space<vmem>> -> memref<1x128xi32, #tpu.memory_space<vmem>>
      %dma_wait3A_192 = tpu.memref_squeeze %dma_wait3A_191 : memref<1x128xi32, #tpu.memory_space<vmem>> -> memref<128xi32, #tpu.memory_space<vmem>>
      %dma_wait3A_193 = tpu.memref_slice %arg2[%add3A_7] : memref<16384xi32, #tpu.memory_space<hbm>> -> memref<128xi32, #tpu.memory_space<hbm>>
      %dma_wait3A_194 = arith.constant 0 : i32
      %dma_wait3A_195 = tpu.memref_slice %arg6[%run_scoped3A_8, %dma_wait3A_194] : memref<4x128xi32, #tpu.memory_space<vmem>> -> memref<1x128xi32, #tpu.memory_space<vmem>>
      %dma_wait3A_196 = tpu.memref_squeeze %dma_wait3A_195 : memref<1x128xi32, #tpu.memory_space<vmem>> -> memref<128xi32, #tpu.memory_space<vmem>>
      %dma_wait3A_197 = tpu.memref_slice %arg2[%add3A_7] : memref<16384xi32, #tpu.memory_space<hbm>> -> memref<128xi32, #tpu.memory_space<hbm>>
      tpu.wait_dma2 semaphore(%run_scoped3A_181 : memref<!tpu.dma_semaphore, #tpu.memory_space<semaphore_mem>>) src(%dma_wait3A_197 : memref<128xi32, #tpu.memory_space<hbm>>) dst(%dma_wait3A_196 : memref<128xi32, #tpu.memory_space<vmem>>)
      tpu.yield
    }) : () -> ()
    %run_scoped3A_9 = arith.constant 1 : i32
    "tpu.region"() ({
      %run_scoped3A_181 = tpu.sem_alloc : memref<!tpu.dma_semaphore, #tpu.memory_space<semaphore_mem>>
      %dma_start3A_182 = arith.constant 0 : i32
      %dma_start3A_183 = tpu.memref_slice %arg7[%run_scoped3A_9, %dma_start3A_182] : memref<4x128xi32, #tpu.memory_space<vmem>> -> memref<1x128xi32, #tpu.memory_space<vmem>>
      %dma_start3A_184 = tpu.memref_squeeze %dma_start3A_183 : memref<1x128xi32, #tpu.memory_space<vmem>> -> memref<128xi32, #tpu.memory_space<vmem>>
      %dma_start3A_185 = tpu.memref_slice %arg3[%add3A_7] : memref<16384xi32, #tpu.memory_space<hbm>> -> memref<128xi32, #tpu.memory_space<hbm>>
      %dma_start3A_186 = arith.constant 0 : i32
      %dma_start3A_187 = tpu.memref_slice %arg7[%run_scoped3A_9, %dma_start3A_186] : memref<4x128xi32, #tpu.memory_space<vmem>> -> memref<1x128xi32, #tpu.memory_space<vmem>>
      %dma_start3A_188 = tpu.memref_squeeze %dma_start3A_187 : memref<1x128xi32, #tpu.memory_space<vmem>> -> memref<128xi32, #tpu.memory_space<vmem>>
      %dma_start3A_189 = tpu.memref_slice %arg3[%add3A_7] : memref<16384xi32, #tpu.memory_space<hbm>> -> memref<128xi32, #tpu.memory_space<hbm>>
      tpu.enqueue_dma source(%dma_start3A_189 : memref<128xi32, #tpu.memory_space<hbm>>) target(%dma_start3A_188 : memref<128xi32, #tpu.memory_space<vmem>>) target_semaphore(%run_scoped3A_181 : memref<!tpu.dma_semaphore, #tpu.memory_space<semaphore_mem>>)
      %dma_wait3A_190 = arith.constant 0 : i32
      %dma_wait3A_191 = tpu.memref_slice %arg7[%run_scoped3A_9, %dma_wait3A_190] : memref<4x128xi32, #tpu.memory_space<vmem>> -> memref<1x128xi32, #tpu.memory_space<vmem>>
      %dma_wait3A_192 = tpu.memref_squeeze %dma_wait3A_191 : memref<1x128xi32, #tpu.memory_space<vmem>> -> memref<128xi32, #tpu.memory_space<vmem>>
      %dma_wait3A_193 = tpu.memref_slice %arg3[%add3A_7] : memref<16384xi32, #tpu.memory_space<hbm>> -> memref<128xi32, #tpu.memory_space<hbm>>
      %dma_wait3A_194 = arith.constant 0 : i32
      %dma_wait3A_195 = tpu.memref_slice %arg7[%run_scoped3A_9, %dma_wait3A_194] : memref<4x128xi32, #tpu.memory_space<vmem>> -> memref<1x128xi32, #tpu.memory_space<vmem>>
      %dma_wait3A_196 = tpu.memref_squeeze %dma_wait3A_195 : memref<1x128xi32, #tpu.memory_space<vmem>> -> memref<128xi32, #tpu.memory_space<vmem>>
      %dma_wait3A_197 = tpu.memref_slice %arg3[%add3A_7] : memref<16384xi32, #tpu.memory_space<hbm>> -> memref<128xi32, #tpu.memory_space<hbm>>
      tpu.wait_dma2 semaphore(%run_scoped3A_181 : memref<!tpu.dma_semaphore, #tpu.memory_space<semaphore_mem>>) src(%dma_wait3A_197 : memref<128xi32, #tpu.memory_space<hbm>>) dst(%dma_wait3A_196 : memref<128xi32, #tpu.memory_space<vmem>>)
      tpu.yield
    }) : () -> ()
    %add3A_10 = arith.constant 256 : i32
    %add3A_11 = arith.addi %mul3A_2, %add3A_10 : i32
    %run_scoped3A_12 = arith.constant 2 : i32
    "tpu.region"() ({
      %run_scoped3A_181 = tpu.sem_alloc : memref<!tpu.dma_semaphore, #tpu.memory_space<semaphore_mem>>
      %dma_start3A_182 = arith.constant 0 : i32
      %dma_start3A_183 = tpu.memref_slice %arg6[%run_scoped3A_12, %dma_start3A_182] : memref<4x128xi32, #tpu.memory_space<vmem>> -> memref<1x128xi32, #tpu.memory_space<vmem>>
      %dma_start3A_184 = tpu.memref_squeeze %dma_start3A_183 : memref<1x128xi32, #tpu.memory_space<vmem>> -> memref<128xi32, #tpu.memory_space<vmem>>
      %dma_start3A_185 = tpu.memref_slice %arg2[%add3A_11] : memref<16384xi32, #tpu.memory_space<hbm>> -> memref<128xi32, #tpu.memory_space<hbm>>
      %dma_start3A_186 = arith.constant 0 : i32
      %dma_start3A_187 = tpu.memref_slice %arg6[%run_scoped3A_12, %dma_start3A_186] : memref<4x128xi32, #tpu.memory_space<vmem>> -> memref<1x128xi32, #tpu.memory_space<vmem>>
      %dma_start3A_188 = tpu.memref_squeeze %dma_start3A_187 : memref<1x128xi32, #tpu.memory_space<vmem>> -> memref<128xi32, #tpu.memory_space<vmem>>
      %dma_start3A_189 = tpu.memref_slice %arg2[%add3A_11] : memref<16384xi32, #tpu.memory_space<hbm>> -> memref<128xi32, #tpu.memory_space<hbm>>
      tpu.enqueue_dma source(%dma_start3A_189 : memref<128xi32, #tpu.memory_space<hbm>>) target(%dma_start3A_188 : memref<128xi32, #tpu.memory_space<vmem>>) target_semaphore(%run_scoped3A_181 : memref<!tpu.dma_semaphore, #tpu.memory_space<semaphore_mem>>)
      %dma_wait3A_190 = arith.constant 0 : i32
      %dma_wait3A_191 = tpu.memref_slice %arg6[%run_scoped3A_12, %dma_wait3A_190] : memref<4x128xi32, #tpu.memory_space<vmem>> -> memref<1x128xi32, #tpu.memory_space<vmem>>
      %dma_wait3A_192 = tpu.memref_squeeze %dma_wait3A_191 : memref<1x128xi32, #tpu.memory_space<vmem>> -> memref<128xi32, #tpu.memory_space<vmem>>
      %dma_wait3A_193 = tpu.memref_slice %arg2[%add3A_11] : memref<16384xi32, #tpu.memory_space<hbm>> -> memref<128xi32, #tpu.memory_space<hbm>>
      %dma_wait3A_194 = arith.constant 0 : i32
      %dma_wait3A_195 = tpu.memref_slice %arg6[%run_scoped3A_12, %dma_wait3A_194] : memref<4x128xi32, #tpu.memory_space<vmem>> -> memref<1x128xi32, #tpu.memory_space<vmem>>
      %dma_wait3A_196 = tpu.memref_squeeze %dma_wait3A_195 : memref<1x128xi32, #tpu.memory_space<vmem>> -> memref<128xi32, #tpu.memory_space<vmem>>
      %dma_wait3A_197 = tpu.memref_slice %arg2[%add3A_11] : memref<16384xi32, #tpu.memory_space<hbm>> -> memref<128xi32, #tpu.memory_space<hbm>>
      tpu.wait_dma2 semaphore(%run_scoped3A_181 : memref<!tpu.dma_semaphore, #tpu.memory_space<semaphore_mem>>) src(%dma_wait3A_197 : memref<128xi32, #tpu.memory_space<hbm>>) dst(%dma_wait3A_196 : memref<128xi32, #tpu.memory_space<vmem>>)
      tpu.yield
    }) : () -> ()
    %run_scoped3A_13 = arith.constant 2 : i32
    "tpu.region"() ({
      %run_scoped3A_181 = tpu.sem_alloc : memref<!tpu.dma_semaphore, #tpu.memory_space<semaphore_mem>>
      %dma_start3A_182 = arith.constant 0 : i32
      %dma_start3A_183 = tpu.memref_slice %arg7[%run_scoped3A_13, %dma_start3A_182] : memref<4x128xi32, #tpu.memory_space<vmem>> -> memref<1x128xi32, #tpu.memory_space<vmem>>
      %dma_start3A_184 = tpu.memref_squeeze %dma_start3A_183 : memref<1x128xi32, #tpu.memory_space<vmem>> -> memref<128xi32, #tpu.memory_space<vmem>>
      %dma_start3A_185 = tpu.memref_slice %arg3[%add3A_11] : memref<16384xi32, #tpu.memory_space<hbm>> -> memref<128xi32, #tpu.memory_space<hbm>>
      %dma_start3A_186 = arith.constant 0 : i32
      %dma_start3A_187 = tpu.memref_slice %arg7[%run_scoped3A_13, %dma_start3A_186] : memref<4x128xi32, #tpu.memory_space<vmem>> -> memref<1x128xi32, #tpu.memory_space<vmem>>
      %dma_start3A_188 = tpu.memref_squeeze %dma_start3A_187 : memref<1x128xi32, #tpu.memory_space<vmem>> -> memref<128xi32, #tpu.memory_space<vmem>>
      %dma_start3A_189 = tpu.memref_slice %arg3[%add3A_11] : memref<16384xi32, #tpu.memory_space<hbm>> -> memref<128xi32, #tpu.memory_space<hbm>>
      tpu.enqueue_dma source(%dma_start3A_189 : memref<128xi32, #tpu.memory_space<hbm>>) target(%dma_start3A_188 : memref<128xi32, #tpu.memory_space<vmem>>) target_semaphore(%run_scoped3A_181 : memref<!tpu.dma_semaphore, #tpu.memory_space<semaphore_mem>>)
      %dma_wait3A_190 = arith.constant 0 : i32
      %dma_wait3A_191 = tpu.memref_slice %arg7[%run_scoped3A_13, %dma_wait3A_190] : memref<4x128xi32, #tpu.memory_space<vmem>> -> memref<1x128xi32, #tpu.memory_space<vmem>>
      %dma_wait3A_192 = tpu.memref_squeeze %dma_wait3A_191 : memref<1x128xi32, #tpu.memory_space<vmem>> -> memref<128xi32, #tpu.memory_space<vmem>>
      %dma_wait3A_193 = tpu.memref_slice %arg3[%add3A_11] : memref<16384xi32, #tpu.memory_space<hbm>> -> memref<128xi32, #tpu.memory_space<hbm>>
      %dma_wait3A_194 = arith.constant 0 : i32
      %dma_wait3A_195 = tpu.memref_slice %arg7[%run_scoped3A_13, %dma_wait3A_194] : memref<4x128xi32, #tpu.memory_space<vmem>> -> memref<1x128xi32, #tpu.memory_space<vmem>>
      %dma_wait3A_196 = tpu.memref_squeeze %dma_wait3A_195 : memref<1x128xi32, #tpu.memory_space<vmem>> -> memref<128xi32, #tpu.memory_space<vmem>>
      %dma_wait3A_197 = tpu.memref_slice %arg3[%add3A_11] : memref<16384xi32, #tpu.memory_space<hbm>> -> memref<128xi32, #tpu.memory_space<hbm>>
      tpu.wait_dma2 semaphore(%run_scoped3A_181 : memref<!tpu.dma_semaphore, #tpu.memory_space<semaphore_mem>>) src(%dma_wait3A_197 : memref<128xi32, #tpu.memory_space<hbm>>) dst(%dma_wait3A_196 : memref<128xi32, #tpu.memory_space<vmem>>)
      tpu.yield
    }) : () -> ()
    %add3A_14 = arith.constant 384 : i32
    %add3A_15 = arith.addi %mul3A_2, %add3A_14 : i32
    %run_scoped3A_16 = arith.constant 3 : i32
    "tpu.region"() ({
      %run_scoped3A_181 = tpu.sem_alloc : memref<!tpu.dma_semaphore, #tpu.memory_space<semaphore_mem>>
      %dma_start3A_182 = arith.constant 0 : i32
      %dma_start3A_183 = tpu.memref_slice %arg6[%run_scoped3A_16, %dma_start3A_182] : memref<4x128xi32, #tpu.memory_space<vmem>> -> memref<1x128xi32, #tpu.memory_space<vmem>>
      %dma_start3A_184 = tpu.memref_squeeze %dma_start3A_183 : memref<1x128xi32, #tpu.memory_space<vmem>> -> memref<128xi32, #tpu.memory_space<vmem>>
      %dma_start3A_185 = tpu.memref_slice %arg2[%add3A_15] : memref<16384xi32, #tpu.memory_space<hbm>> -> memref<128xi32, #tpu.memory_space<hbm>>
      %dma_start3A_186 = arith.constant 0 : i32
      %dma_start3A_187 = tpu.memref_slice %arg6[%run_scoped3A_16, %dma_start3A_186] : memref<4x128xi32, #tpu.memory_space<vmem>> -> memref<1x128xi32, #tpu.memory_space<vmem>>
      %dma_start3A_188 = tpu.memref_squeeze %dma_start3A_187 : memref<1x128xi32, #tpu.memory_space<vmem>> -> memref<128xi32, #tpu.memory_space<vmem>>
      %dma_start3A_189 = tpu.memref_slice %arg2[%add3A_15] : memref<16384xi32, #tpu.memory_space<hbm>> -> memref<128xi32, #tpu.memory_space<hbm>>
      tpu.enqueue_dma source(%dma_start3A_189 : memref<128xi32, #tpu.memory_space<hbm>>) target(%dma_start3A_188 : memref<128xi32, #tpu.memory_space<vmem>>) target_semaphore(%run_scoped3A_181 : memref<!tpu.dma_semaphore, #tpu.memory_space<semaphore_mem>>)
      %dma_wait3A_190 = arith.constant 0 : i32
      %dma_wait3A_191 = tpu.memref_slice %arg6[%run_scoped3A_16, %dma_wait3A_190] : memref<4x128xi32, #tpu.memory_space<vmem>> -> memref<1x128xi32, #tpu.memory_space<vmem>>
      %dma_wait3A_192 = tpu.memref_squeeze %dma_wait3A_191 : memref<1x128xi32, #tpu.memory_space<vmem>> -> memref<128xi32, #tpu.memory_space<vmem>>
      %dma_wait3A_193 = tpu.memref_slice %arg2[%add3A_15] : memref<16384xi32, #tpu.memory_space<hbm>> -> memref<128xi32, #tpu.memory_space<hbm>>
      %dma_wait3A_194 = arith.constant 0 : i32
      %dma_wait3A_195 = tpu.memref_slice %arg6[%run_scoped3A_16, %dma_wait3A_194] : memref<4x128xi32, #tpu.memory_space<vmem>> -> memref<1x128xi32, #tpu.memory_space<vmem>>
      %dma_wait3A_196 = tpu.memref_squeeze %dma_wait3A_195 : memref<1x128xi32, #tpu.memory_space<vmem>> -> memref<128xi32, #tpu.memory_space<vmem>>
      %dma_wait3A_197 = tpu.memref_slice %arg2[%add3A_15] : memref<16384xi32, #tpu.memory_space<hbm>> -> memref<128xi32, #tpu.memory_space<hbm>>
      tpu.wait_dma2 semaphore(%run_scoped3A_181 : memref<!tpu.dma_semaphore, #tpu.memory_space<semaphore_mem>>) src(%dma_wait3A_197 : memref<128xi32, #tpu.memory_space<hbm>>) dst(%dma_wait3A_196 : memref<128xi32, #tpu.memory_space<vmem>>)
      tpu.yield
    }) : () -> ()
    %run_scoped3A_17 = arith.constant 3 : i32
    "tpu.region"() ({
      %run_scoped3A_181 = tpu.sem_alloc : memref<!tpu.dma_semaphore, #tpu.memory_space<semaphore_mem>>
      %dma_start3A_182 = arith.constant 0 : i32
      %dma_start3A_183 = tpu.memref_slice %arg7[%run_scoped3A_17, %dma_start3A_182] : memref<4x128xi32, #tpu.memory_space<vmem>> -> memref<1x128xi32, #tpu.memory_space<vmem>>
      %dma_start3A_184 = tpu.memref_squeeze %dma_start3A_183 : memref<1x128xi32, #tpu.memory_space<vmem>> -> memref<128xi32, #tpu.memory_space<vmem>>
      %dma_start3A_185 = tpu.memref_slice %arg3[%add3A_15] : memref<16384xi32, #tpu.memory_space<hbm>> -> memref<128xi32, #tpu.memory_space<hbm>>
      %dma_start3A_186 = arith.constant 0 : i32
      %dma_start3A_187 = tpu.memref_slice %arg7[%run_scoped3A_17, %dma_start3A_186] : memref<4x128xi32, #tpu.memory_space<vmem>> -> memref<1x128xi32, #tpu.memory_space<vmem>>
      %dma_start3A_188 = tpu.memref_squeeze %dma_start3A_187 : memref<1x128xi32, #tpu.memory_space<vmem>> -> memref<128xi32, #tpu.memory_space<vmem>>
      %dma_start3A_189 = tpu.memref_slice %arg3[%add3A_15] : memref<16384xi32, #tpu.memory_space<hbm>> -> memref<128xi32, #tpu.memory_space<hbm>>
      tpu.enqueue_dma source(%dma_start3A_189 : memref<128xi32, #tpu.memory_space<hbm>>) target(%dma_start3A_188 : memref<128xi32, #tpu.memory_space<vmem>>) target_semaphore(%run_scoped3A_181 : memref<!tpu.dma_semaphore, #tpu.memory_space<semaphore_mem>>)
      %dma_wait3A_190 = arith.constant 0 : i32
      %dma_wait3A_191 = tpu.memref_slice %arg7[%run_scoped3A_17, %dma_wait3A_190] : memref<4x128xi32, #tpu.memory_space<vmem>> -> memref<1x128xi32, #tpu.memory_space<vmem>>
      %dma_wait3A_192 = tpu.memref_squeeze %dma_wait3A_191 : memref<1x128xi32, #tpu.memory_space<vmem>> -> memref<128xi32, #tpu.memory_space<vmem>>
      %dma_wait3A_193 = tpu.memref_slice %arg3[%add3A_15] : memref<16384xi32, #tpu.memory_space<hbm>> -> memref<128xi32, #tpu.memory_space<hbm>>
      %dma_wait3A_194 = arith.constant 0 : i32
      %dma_wait3A_195 = tpu.memref_slice %arg7[%run_scoped3A_17, %dma_wait3A_194] : memref<4x128xi32, #tpu.memory_space<vmem>> -> memref<1x128xi32, #tpu.memory_space<vmem>>
      %dma_wait3A_196 = tpu.memref_squeeze %dma_wait3A_195 : memref<1x128xi32, #tpu.memory_space<vmem>> -> memref<128xi32, #tpu.memory_space<vmem>>
      %dma_wait3A_197 = tpu.memref_slice %arg3[%add3A_15] : memref<16384xi32, #tpu.memory_space<hbm>> -> memref<128xi32, #tpu.memory_space<hbm>>
      tpu.wait_dma2 semaphore(%run_scoped3A_181 : memref<!tpu.dma_semaphore, #tpu.memory_space<semaphore_mem>>) src(%dma_wait3A_197 : memref<128xi32, #tpu.memory_space<hbm>>) dst(%dma_wait3A_196 : memref<128xi32, #tpu.memory_space<vmem>>)
      tpu.yield
    }) : () -> ()
    %dma_start3A = arith.constant 0 : i32
    %dma_start3A_18 = arith.constant 0 : i32
    %dma_start3A_19 = arith.constant 0 : i32
    %dma_start3A_20 = tpu.memref_slice %arg8[%dma_start3A_18, %dma_start3A_19] : memref<512x32xf32, #tpu.memory_space<vmem>> -> memref<128x32xf32, #tpu.memory_space<vmem>>
    %dma_start3A_21 = arith.constant 0 : i32
    %dma_start3A_22 = tpu.memref_slice %arg6[%dma_start3A, %dma_start3A_21] : memref<4x128xi32, #tpu.memory_space<vmem>> -> memref<1x128xi32, #tpu.memory_space<vmem>>
    %dma_start3A_23 = tpu.memref_squeeze %dma_start3A_22 : memref<1x128xi32, #tpu.memory_space<vmem>> -> memref<128xi32, #tpu.memory_space<vmem>>
    %dma_start3A_24 = arith.constant 0 : i32
    %dma_start3A_25 = arith.constant 0 : i32
    %dma_start3A_26 = tpu.memref_slice %arg4[%dma_start3A_24, %dma_start3A_25] : memref<1000000x32xf32, #tpu.memory_space<hbm>> -> memref<1000000x32xf32, #tpu.memory_space<hbm>>
    tpu.enqueue_indirect_dma source(%dma_start3A_26 : memref<1000000x32xf32, #tpu.memory_space<hbm>>) target(%dma_start3A_20 : memref<128x32xf32, #tpu.memory_space<vmem>>) offsets(%dma_start3A_23 : memref<128xi32, #tpu.memory_space<vmem>>) semaphore(%arg11 : memref<!tpu.dma_semaphore, #tpu.memory_space<semaphore_mem>>)
    %dma_start3A_27 = arith.constant 0 : i32
    %dma_start3A_28 = arith.constant 0 : i32
    %dma_start3A_29 = arith.constant 0 : i32
    %dma_start3A_30 = tpu.memref_slice %arg9[%dma_start3A_28, %dma_start3A_29] : memref<512x32xf32, #tpu.memory_space<vmem>> -> memref<128x32xf32, #tpu.memory_space<vmem>>
    %dma_start3A_31 = arith.constant 0 : i32
    %dma_start3A_32 = tpu.memref_slice %arg7[%dma_start3A_27, %dma_start3A_31] : memref<4x128xi32, #tpu.memory_space<vmem>> -> memref<1x128xi32, #tpu.memory_space<vmem>>
    %dma_start3A_33 = tpu.memref_squeeze %dma_start3A_32 : memref<1x128xi32, #tpu.memory_space<vmem>> -> memref<128xi32, #tpu.memory_space<vmem>>
    %dma_start3A_34 = arith.constant 0 : i32
    %dma_start3A_35 = arith.constant 0 : i32
    %dma_start3A_36 = tpu.memref_slice %arg4[%dma_start3A_34, %dma_start3A_35] : memref<1000000x32xf32, #tpu.memory_space<hbm>> -> memref<1000000x32xf32, #tpu.memory_space<hbm>>
    tpu.enqueue_indirect_dma source(%dma_start3A_36 : memref<1000000x32xf32, #tpu.memory_space<hbm>>) target(%dma_start3A_30 : memref<128x32xf32, #tpu.memory_space<vmem>>) offsets(%dma_start3A_33 : memref<128xi32, #tpu.memory_space<vmem>>) semaphore(%arg11 : memref<!tpu.dma_semaphore, #tpu.memory_space<semaphore_mem>>)
    %dma_start3A_37 = arith.constant 1 : i32
    %dma_start3A_38 = arith.constant 128 : i32
    %dma_start3A_39 = arith.constant 0 : i32
    %dma_start3A_40 = tpu.memref_slice %arg8[%dma_start3A_38, %dma_start3A_39] : memref<512x32xf32, #tpu.memory_space<vmem>> -> memref<128x32xf32, #tpu.memory_space<vmem>>
    %dma_start3A_41 = arith.constant 0 : i32
    %dma_start3A_42 = tpu.memref_slice %arg6[%dma_start3A_37, %dma_start3A_41] : memref<4x128xi32, #tpu.memory_space<vmem>> -> memref<1x128xi32, #tpu.memory_space<vmem>>
    %dma_start3A_43 = tpu.memref_squeeze %dma_start3A_42 : memref<1x128xi32, #tpu.memory_space<vmem>> -> memref<128xi32, #tpu.memory_space<vmem>>
    %dma_start3A_44 = arith.constant 0 : i32
    %dma_start3A_45 = arith.constant 0 : i32
    %dma_start3A_46 = tpu.memref_slice %arg4[%dma_start3A_44, %dma_start3A_45] : memref<1000000x32xf32, #tpu.memory_space<hbm>> -> memref<1000000x32xf32, #tpu.memory_space<hbm>>
    tpu.enqueue_indirect_dma source(%dma_start3A_46 : memref<1000000x32xf32, #tpu.memory_space<hbm>>) target(%dma_start3A_40 : memref<128x32xf32, #tpu.memory_space<vmem>>) offsets(%dma_start3A_43 : memref<128xi32, #tpu.memory_space<vmem>>) semaphore(%arg11 : memref<!tpu.dma_semaphore, #tpu.memory_space<semaphore_mem>>)
    %dma_start3A_47 = arith.constant 1 : i32
    %dma_start3A_48 = arith.constant 128 : i32
    %dma_start3A_49 = arith.constant 0 : i32
    %dma_start3A_50 = tpu.memref_slice %arg9[%dma_start3A_48, %dma_start3A_49] : memref<512x32xf32, #tpu.memory_space<vmem>> -> memref<128x32xf32, #tpu.memory_space<vmem>>
    %dma_start3A_51 = arith.constant 0 : i32
    %dma_start3A_52 = tpu.memref_slice %arg7[%dma_start3A_47, %dma_start3A_51] : memref<4x128xi32, #tpu.memory_space<vmem>> -> memref<1x128xi32, #tpu.memory_space<vmem>>
    %dma_start3A_53 = tpu.memref_squeeze %dma_start3A_52 : memref<1x128xi32, #tpu.memory_space<vmem>> -> memref<128xi32, #tpu.memory_space<vmem>>
    %dma_start3A_54 = arith.constant 0 : i32
    %dma_start3A_55 = arith.constant 0 : i32
    %dma_start3A_56 = tpu.memref_slice %arg4[%dma_start3A_54, %dma_start3A_55] : memref<1000000x32xf32, #tpu.memory_space<hbm>> -> memref<1000000x32xf32, #tpu.memory_space<hbm>>
    tpu.enqueue_indirect_dma source(%dma_start3A_56 : memref<1000000x32xf32, #tpu.memory_space<hbm>>) target(%dma_start3A_50 : memref<128x32xf32, #tpu.memory_space<vmem>>) offsets(%dma_start3A_53 : memref<128xi32, #tpu.memory_space<vmem>>) semaphore(%arg11 : memref<!tpu.dma_semaphore, #tpu.memory_space<semaphore_mem>>)
    %dma_start3A_57 = arith.constant 2 : i32
    %dma_start3A_58 = arith.constant 256 : i32
    %dma_start3A_59 = arith.constant 0 : i32
    %dma_start3A_60 = tpu.memref_slice %arg8[%dma_start3A_58, %dma_start3A_59] : memref<512x32xf32, #tpu.memory_space<vmem>> -> memref<128x32xf32, #tpu.memory_space<vmem>>
    %dma_start3A_61 = arith.constant 0 : i32
    %dma_start3A_62 = tpu.memref_slice %arg6[%dma_start3A_57, %dma_start3A_61] : memref<4x128xi32, #tpu.memory_space<vmem>> -> memref<1x128xi32, #tpu.memory_space<vmem>>
    %dma_start3A_63 = tpu.memref_squeeze %dma_start3A_62 : memref<1x128xi32, #tpu.memory_space<vmem>> -> memref<128xi32, #tpu.memory_space<vmem>>
    %dma_start3A_64 = arith.constant 0 : i32
    %dma_start3A_65 = arith.constant 0 : i32
    %dma_start3A_66 = tpu.memref_slice %arg4[%dma_start3A_64, %dma_start3A_65] : memref<1000000x32xf32, #tpu.memory_space<hbm>> -> memref<1000000x32xf32, #tpu.memory_space<hbm>>
    tpu.enqueue_indirect_dma source(%dma_start3A_66 : memref<1000000x32xf32, #tpu.memory_space<hbm>>) target(%dma_start3A_60 : memref<128x32xf32, #tpu.memory_space<vmem>>) offsets(%dma_start3A_63 : memref<128xi32, #tpu.memory_space<vmem>>) semaphore(%arg11 : memref<!tpu.dma_semaphore, #tpu.memory_space<semaphore_mem>>)
    %dma_start3A_67 = arith.constant 2 : i32
    %dma_start3A_68 = arith.constant 256 : i32
    %dma_start3A_69 = arith.constant 0 : i32
    %dma_start3A_70 = tpu.memref_slice %arg9[%dma_start3A_68, %dma_start3A_69] : memref<512x32xf32, #tpu.memory_space<vmem>> -> memref<128x32xf32, #tpu.memory_space<vmem>>
    %dma_start3A_71 = arith.constant 0 : i32
    %dma_start3A_72 = tpu.memref_slice %arg7[%dma_start3A_67, %dma_start3A_71] : memref<4x128xi32, #tpu.memory_space<vmem>> -> memref<1x128xi32, #tpu.memory_space<vmem>>
    %dma_start3A_73 = tpu.memref_squeeze %dma_start3A_72 : memref<1x128xi32, #tpu.memory_space<vmem>> -> memref<128xi32, #tpu.memory_space<vmem>>
    %dma_start3A_74 = arith.constant 0 : i32
    %dma_start3A_75 = arith.constant 0 : i32
    %dma_start3A_76 = tpu.memref_slice %arg4[%dma_start3A_74, %dma_start3A_75] : memref<1000000x32xf32, #tpu.memory_space<hbm>> -> memref<1000000x32xf32, #tpu.memory_space<hbm>>
    tpu.enqueue_indirect_dma source(%dma_start3A_76 : memref<1000000x32xf32, #tpu.memory_space<hbm>>) target(%dma_start3A_70 : memref<128x32xf32, #tpu.memory_space<vmem>>) offsets(%dma_start3A_73 : memref<128xi32, #tpu.memory_space<vmem>>) semaphore(%arg11 : memref<!tpu.dma_semaphore, #tpu.memory_space<semaphore_mem>>)
    %dma_start3A_77 = arith.constant 3 : i32
    %dma_start3A_78 = arith.constant 384 : i32
    %dma_start3A_79 = arith.constant 0 : i32
    %dma_start3A_80 = tpu.memref_slice %arg8[%dma_start3A_78, %dma_start3A_79] : memref<512x32xf32, #tpu.memory_space<vmem>> -> memref<128x32xf32, #tpu.memory_space<vmem>>
    %dma_start3A_81 = arith.constant 0 : i32
    %dma_start3A_82 = tpu.memref_slice %arg6[%dma_start3A_77, %dma_start3A_81] : memref<4x128xi32, #tpu.memory_space<vmem>> -> memref<1x128xi32, #tpu.memory_space<vmem>>
    %dma_start3A_83 = tpu.memref_squeeze %dma_start3A_82 : memref<1x128xi32, #tpu.memory_space<vmem>> -> memref<128xi32, #tpu.memory_space<vmem>>
    %dma_start3A_84 = arith.constant 0 : i32
    %dma_start3A_85 = arith.constant 0 : i32
    %dma_start3A_86 = tpu.memref_slice %arg4[%dma_start3A_84, %dma_start3A_85] : memref<1000000x32xf32, #tpu.memory_space<hbm>> -> memref<1000000x32xf32, #tpu.memory_space<hbm>>
    tpu.enqueue_indirect_dma source(%dma_start3A_86 : memref<1000000x32xf32, #tpu.memory_space<hbm>>) target(%dma_start3A_80 : memref<128x32xf32, #tpu.memory_space<vmem>>) offsets(%dma_start3A_83 : memref<128xi32, #tpu.memory_space<vmem>>) semaphore(%arg11 : memref<!tpu.dma_semaphore, #tpu.memory_space<semaphore_mem>>)
    %dma_start3A_87 = arith.constant 3 : i32
    %dma_start3A_88 = arith.constant 384 : i32
    %dma_start3A_89 = arith.constant 0 : i32
    %dma_start3A_90 = tpu.memref_slice %arg9[%dma_start3A_88, %dma_start3A_89] : memref<512x32xf32, #tpu.memory_space<vmem>> -> memref<128x32xf32, #tpu.memory_space<vmem>>
    %dma_start3A_91 = arith.constant 0 : i32
    %dma_start3A_92 = tpu.memref_slice %arg7[%dma_start3A_87, %dma_start3A_91] : memref<4x128xi32, #tpu.memory_space<vmem>> -> memref<1x128xi32, #tpu.memory_space<vmem>>
    %dma_start3A_93 = tpu.memref_squeeze %dma_start3A_92 : memref<1x128xi32, #tpu.memory_space<vmem>> -> memref<128xi32, #tpu.memory_space<vmem>>
    %dma_start3A_94 = arith.constant 0 : i32
    %dma_start3A_95 = arith.constant 0 : i32
    %dma_start3A_96 = tpu.memref_slice %arg4[%dma_start3A_94, %dma_start3A_95] : memref<1000000x32xf32, #tpu.memory_space<hbm>> -> memref<1000000x32xf32, #tpu.memory_space<hbm>>
    tpu.enqueue_indirect_dma source(%dma_start3A_96 : memref<1000000x32xf32, #tpu.memory_space<hbm>>) target(%dma_start3A_90 : memref<128x32xf32, #tpu.memory_space<vmem>>) offsets(%dma_start3A_93 : memref<128xi32, #tpu.memory_space<vmem>>) semaphore(%arg11 : memref<!tpu.dma_semaphore, #tpu.memory_space<semaphore_mem>>)
    %dma_wait3A = arith.constant 0 : i32
    %dma_wait3A_97 = arith.constant 0 : i32
    %dma_wait3A_98 = arith.constant 0 : i32
    %dma_wait3A_99 = tpu.memref_slice %arg8[%dma_wait3A_97, %dma_wait3A_98] : memref<512x32xf32, #tpu.memory_space<vmem>> -> memref<128x32xf32, #tpu.memory_space<vmem>>
    %dma_wait3A_100 = arith.constant 0 : i32
    %dma_wait3A_101 = tpu.memref_slice %arg6[%dma_wait3A, %dma_wait3A_100] : memref<4x128xi32, #tpu.memory_space<vmem>> -> memref<1x128xi32, #tpu.memory_space<vmem>>
    %dma_wait3A_102 = tpu.memref_squeeze %dma_wait3A_101 : memref<1x128xi32, #tpu.memory_space<vmem>> -> memref<128xi32, #tpu.memory_space<vmem>>
    %dma_wait3A_103 = arith.constant 0 : i32
    %dma_wait3A_104 = arith.constant 0 : i32
    %dma_wait3A_105 = tpu.memref_slice %arg4[%dma_wait3A_103, %dma_wait3A_104] : memref<1000000x32xf32, #tpu.memory_space<hbm>> -> memref<1000000x32xf32, #tpu.memory_space<hbm>>
    tpu.wait_indirect_dma semaphore(%arg11 : memref<!tpu.dma_semaphore, #tpu.memory_space<semaphore_mem>>) src(%dma_wait3A_105 : memref<1000000x32xf32, #tpu.memory_space<hbm>>) dst(%dma_wait3A_99 : memref<128x32xf32, #tpu.memory_space<vmem>>)
    %dma_wait3A_106 = arith.constant 0 : i32
    %dma_wait3A_107 = arith.constant 0 : i32
    %dma_wait3A_108 = arith.constant 0 : i32
    %dma_wait3A_109 = tpu.memref_slice %arg9[%dma_wait3A_107, %dma_wait3A_108] : memref<512x32xf32, #tpu.memory_space<vmem>> -> memref<128x32xf32, #tpu.memory_space<vmem>>
    %dma_wait3A_110 = arith.constant 0 : i32
    %dma_wait3A_111 = tpu.memref_slice %arg7[%dma_wait3A_106, %dma_wait3A_110] : memref<4x128xi32, #tpu.memory_space<vmem>> -> memref<1x128xi32, #tpu.memory_space<vmem>>
    %dma_wait3A_112 = tpu.memref_squeeze %dma_wait3A_111 : memref<1x128xi32, #tpu.memory_space<vmem>> -> memref<128xi32, #tpu.memory_space<vmem>>
    %dma_wait3A_113 = arith.constant 0 : i32
    %dma_wait3A_114 = arith.constant 0 : i32
    %dma_wait3A_115 = tpu.memref_slice %arg4[%dma_wait3A_113, %dma_wait3A_114] : memref<1000000x32xf32, #tpu.memory_space<hbm>> -> memref<1000000x32xf32, #tpu.memory_space<hbm>>
    tpu.wait_indirect_dma semaphore(%arg11 : memref<!tpu.dma_semaphore, #tpu.memory_space<semaphore_mem>>) src(%dma_wait3A_115 : memref<1000000x32xf32, #tpu.memory_space<hbm>>) dst(%dma_wait3A_109 : memref<128x32xf32, #tpu.memory_space<vmem>>)
    %dma_wait3A_116 = arith.constant 1 : i32
    %dma_wait3A_117 = arith.constant 128 : i32
    %dma_wait3A_118 = arith.constant 0 : i32
    %dma_wait3A_119 = tpu.memref_slice %arg8[%dma_wait3A_117, %dma_wait3A_118] : memref<512x32xf32, #tpu.memory_space<vmem>> -> memref<128x32xf32, #tpu.memory_space<vmem>>
    %dma_wait3A_120 = arith.constant 0 : i32
    %dma_wait3A_121 = tpu.memref_slice %arg6[%dma_wait3A_116, %dma_wait3A_120] : memref<4x128xi32, #tpu.memory_space<vmem>> -> memref<1x128xi32, #tpu.memory_space<vmem>>
    %dma_wait3A_122 = tpu.memref_squeeze %dma_wait3A_121 : memref<1x128xi32, #tpu.memory_space<vmem>> -> memref<128xi32, #tpu.memory_space<vmem>>
    %dma_wait3A_123 = arith.constant 0 : i32
    %dma_wait3A_124 = arith.constant 0 : i32
    %dma_wait3A_125 = tpu.memref_slice %arg4[%dma_wait3A_123, %dma_wait3A_124] : memref<1000000x32xf32, #tpu.memory_space<hbm>> -> memref<1000000x32xf32, #tpu.memory_space<hbm>>
    tpu.wait_indirect_dma semaphore(%arg11 : memref<!tpu.dma_semaphore, #tpu.memory_space<semaphore_mem>>) src(%dma_wait3A_125 : memref<1000000x32xf32, #tpu.memory_space<hbm>>) dst(%dma_wait3A_119 : memref<128x32xf32, #tpu.memory_space<vmem>>)
    %dma_wait3A_126 = arith.constant 1 : i32
    %dma_wait3A_127 = arith.constant 128 : i32
    %dma_wait3A_128 = arith.constant 0 : i32
    %dma_wait3A_129 = tpu.memref_slice %arg9[%dma_wait3A_127, %dma_wait3A_128] : memref<512x32xf32, #tpu.memory_space<vmem>> -> memref<128x32xf32, #tpu.memory_space<vmem>>
    %dma_wait3A_130 = arith.constant 0 : i32
    %dma_wait3A_131 = tpu.memref_slice %arg7[%dma_wait3A_126, %dma_wait3A_130] : memref<4x128xi32, #tpu.memory_space<vmem>> -> memref<1x128xi32, #tpu.memory_space<vmem>>
    %dma_wait3A_132 = tpu.memref_squeeze %dma_wait3A_131 : memref<1x128xi32, #tpu.memory_space<vmem>> -> memref<128xi32, #tpu.memory_space<vmem>>
    %dma_wait3A_133 = arith.constant 0 : i32
    %dma_wait3A_134 = arith.constant 0 : i32
    %dma_wait3A_135 = tpu.memref_slice %arg4[%dma_wait3A_133, %dma_wait3A_134] : memref<1000000x32xf32, #tpu.memory_space<hbm>> -> memref<1000000x32xf32, #tpu.memory_space<hbm>>
    tpu.wait_indirect_dma semaphore(%arg11 : memref<!tpu.dma_semaphore, #tpu.memory_space<semaphore_mem>>) src(%dma_wait3A_135 : memref<1000000x32xf32, #tpu.memory_space<hbm>>) dst(%dma_wait3A_129 : memref<128x32xf32, #tpu.memory_space<vmem>>)
    %dma_wait3A_136 = arith.constant 2 : i32
    %dma_wait3A_137 = arith.constant 256 : i32
    %dma_wait3A_138 = arith.constant 0 : i32
    %dma_wait3A_139 = tpu.memref_slice %arg8[%dma_wait3A_137, %dma_wait3A_138] : memref<512x32xf32, #tpu.memory_space<vmem>> -> memref<128x32xf32, #tpu.memory_space<vmem>>
    %dma_wait3A_140 = arith.constant 0 : i32
    %dma_wait3A_141 = tpu.memref_slice %arg6[%dma_wait3A_136, %dma_wait3A_140] : memref<4x128xi32, #tpu.memory_space<vmem>> -> memref<1x128xi32, #tpu.memory_space<vmem>>
    %dma_wait3A_142 = tpu.memref_squeeze %dma_wait3A_141 : memref<1x128xi32, #tpu.memory_space<vmem>> -> memref<128xi32, #tpu.memory_space<vmem>>
    %dma_wait3A_143 = arith.constant 0 : i32
    %dma_wait3A_144 = arith.constant 0 : i32
    %dma_wait3A_145 = tpu.memref_slice %arg4[%dma_wait3A_143, %dma_wait3A_144] : memref<1000000x32xf32, #tpu.memory_space<hbm>> -> memref<1000000x32xf32, #tpu.memory_space<hbm>>
    tpu.wait_indirect_dma semaphore(%arg11 : memref<!tpu.dma_semaphore, #tpu.memory_space<semaphore_mem>>) src(%dma_wait3A_145 : memref<1000000x32xf32, #tpu.memory_space<hbm>>) dst(%dma_wait3A_139 : memref<128x32xf32, #tpu.memory_space<vmem>>)
    %dma_wait3A_146 = arith.constant 2 : i32
    %dma_wait3A_147 = arith.constant 256 : i32
    %dma_wait3A_148 = arith.constant 0 : i32
    %dma_wait3A_149 = tpu.memref_slice %arg9[%dma_wait3A_147, %dma_wait3A_148] : memref<512x32xf32, #tpu.memory_space<vmem>> -> memref<128x32xf32, #tpu.memory_space<vmem>>
    %dma_wait3A_150 = arith.constant 0 : i32
    %dma_wait3A_151 = tpu.memref_slice %arg7[%dma_wait3A_146, %dma_wait3A_150] : memref<4x128xi32, #tpu.memory_space<vmem>> -> memref<1x128xi32, #tpu.memory_space<vmem>>
    %dma_wait3A_152 = tpu.memref_squeeze %dma_wait3A_151 : memref<1x128xi32, #tpu.memory_space<vmem>> -> memref<128xi32, #tpu.memory_space<vmem>>
    %dma_wait3A_153 = arith.constant 0 : i32
    %dma_wait3A_154 = arith.constant 0 : i32
    %dma_wait3A_155 = tpu.memref_slice %arg4[%dma_wait3A_153, %dma_wait3A_154] : memref<1000000x32xf32, #tpu.memory_space<hbm>> -> memref<1000000x32xf32, #tpu.memory_space<hbm>>
    tpu.wait_indirect_dma semaphore(%arg11 : memref<!tpu.dma_semaphore, #tpu.memory_space<semaphore_mem>>) src(%dma_wait3A_155 : memref<1000000x32xf32, #tpu.memory_space<hbm>>) dst(%dma_wait3A_149 : memref<128x32xf32, #tpu.memory_space<vmem>>)
    %dma_wait3A_156 = arith.constant 3 : i32
    %dma_wait3A_157 = arith.constant 384 : i32
    %dma_wait3A_158 = arith.constant 0 : i32
    %dma_wait3A_159 = tpu.memref_slice %arg8[%dma_wait3A_157, %dma_wait3A_158] : memref<512x32xf32, #tpu.memory_space<vmem>> -> memref<128x32xf32, #tpu.memory_space<vmem>>
    %dma_wait3A_160 = arith.constant 0 : i32
    %dma_wait3A_161 = tpu.memref_slice %arg6[%dma_wait3A_156, %dma_wait3A_160] : memref<4x128xi32, #tpu.memory_space<vmem>> -> memref<1x128xi32, #tpu.memory_space<vmem>>
    %dma_wait3A_162 = tpu.memref_squeeze %dma_wait3A_161 : memref<1x128xi32, #tpu.memory_space<vmem>> -> memref<128xi32, #tpu.memory_space<vmem>>
    %dma_wait3A_163 = arith.constant 0 : i32
    %dma_wait3A_164 = arith.constant 0 : i32
    %dma_wait3A_165 = tpu.memref_slice %arg4[%dma_wait3A_163, %dma_wait3A_164] : memref<1000000x32xf32, #tpu.memory_space<hbm>> -> memref<1000000x32xf32, #tpu.memory_space<hbm>>
    tpu.wait_indirect_dma semaphore(%arg11 : memref<!tpu.dma_semaphore, #tpu.memory_space<semaphore_mem>>) src(%dma_wait3A_165 : memref<1000000x32xf32, #tpu.memory_space<hbm>>) dst(%dma_wait3A_159 : memref<128x32xf32, #tpu.memory_space<vmem>>)
    %dma_wait3A_166 = arith.constant 3 : i32
    %dma_wait3A_167 = arith.constant 384 : i32
    %dma_wait3A_168 = arith.constant 0 : i32
    %dma_wait3A_169 = tpu.memref_slice %arg9[%dma_wait3A_167, %dma_wait3A_168] : memref<512x32xf32, #tpu.memory_space<vmem>> -> memref<128x32xf32, #tpu.memory_space<vmem>>
    %dma_wait3A_170 = arith.constant 0 : i32
    %dma_wait3A_171 = tpu.memref_slice %arg7[%dma_wait3A_166, %dma_wait3A_170] : memref<4x128xi32, #tpu.memory_space<vmem>> -> memref<1x128xi32, #tpu.memory_space<vmem>>
    %dma_wait3A_172 = tpu.memref_squeeze %dma_wait3A_171 : memref<1x128xi32, #tpu.memory_space<vmem>> -> memref<128xi32, #tpu.memory_space<vmem>>
    %dma_wait3A_173 = arith.constant 0 : i32
    %dma_wait3A_174 = arith.constant 0 : i32
    %dma_wait3A_175 = tpu.memref_slice %arg4[%dma_wait3A_173, %dma_wait3A_174] : memref<1000000x32xf32, #tpu.memory_space<hbm>> -> memref<1000000x32xf32, #tpu.memory_space<hbm>>
    tpu.wait_indirect_dma semaphore(%arg11 : memref<!tpu.dma_semaphore, #tpu.memory_space<semaphore_mem>>) src(%dma_wait3A_175 : memref<1000000x32xf32, #tpu.memory_space<hbm>>) dst(%dma_wait3A_169 : memref<128x32xf32, #tpu.memory_space<vmem>>)
    %iota3A = tpu.iota {dimensions = array<i32: 0>} : vector<16xi32>
    %scan3A = arith.constant 0 : i32
    %scan3A_176 = arith.constant 0 : i32
    %scan3A_177 = arith.constant 32 : i32
    %scan3A_178 = arith.addi %scan3A_176, %scan3A_177 : i32
    %scan3A_179 = arith.constant 1 : i32
    scf.for %scan3A_181 = %scan3A_176 to %scan3A_178 step %scan3A_179  : i32 {
      %mul3A_182 = arith.constant 16 : i32
      %mul3A_183 = arith.muli %scan3A_181, %mul3A_182 : i32
      %broadcast_in_dim3A = arith.constant 0.000000e+00 : f32
      %broadcast_in_dim3A_184 = vector.broadcast %broadcast_in_dim3A : f32 to vector<16xf32>
      %add3A_185 = arith.constant 0 : i32
      %add3A_186 = arith.addi %mul3A_183, %add3A_185 : i32
      %get3A = arith.index_cast %add3A_186 : i32 to index
      %get3A_187 = arith.constant 0 : index
      %get3A_188 = tpu.vector_load %arg8[%get3A, %get3A_187] {strides = array<i32>} : memref<512x32xf32, #tpu.memory_space<vmem>>, vector<16xf32>,
      %get3A_189 = arith.index_cast %add3A_186 : i32 to index
      %get3A_190 = arith.constant 16 : index
      %get3A_191 = tpu.vector_load %arg8[%get3A_189, %get3A_190] {strides = array<i32>} : memref<512x32xf32, #tpu.memory_space<vmem>>, vector<16xf32>,
      %get3A_192 = arith.index_cast %add3A_186 : i32 to index
      %get3A_193 = arith.constant 0 : index
      %get3A_194 = tpu.vector_load %arg9[%get3A_192, %get3A_193] {strides = array<i32>} : memref<512x32xf32, #tpu.memory_space<vmem>>, vector<16xf32>,
      %get3A_195 = arith.index_cast %add3A_186 : i32 to index
      %get3A_196 = arith.constant 16 : index
      %get3A_197 = tpu.vector_load %arg9[%get3A_195, %get3A_196] {strides = array<i32>} : memref<512x32xf32, #tpu.memory_space<vmem>>, vector<16xf32>,
      %mul3A_198 = arith.mulf %get3A_188, %get3A_194 : vector<16xf32>
      %mul3A_199 = arith.mulf %get3A_191, %get3A_197 : vector<16xf32>
      %add3A_200 = arith.addf %mul3A_198, %mul3A_199 : vector<16xf32>
      %reduce_sum3A = arith.constant true
      %reduce_sum3A_201 = vector.broadcast %reduce_sum3A : i1 to vector<16xi1>
      %reduce_sum3A_202 = tpu.scan <sum>, %add3A_200 masked %reduce_sum3A_201 : vector<16xf32>, vector<16xi1> -> vector<16xf32>
      %reduce_sum3A_203 = vector.extract %reduce_sum3A_202[15] : f32 from vector<16xf32>
      %eq3A = arith.constant 0 : i32
      %eq3A_204 = vector.broadcast %eq3A : i32 to vector<16xi32>
      %eq3A_205 = arith.cmpi eq, %iota3A, %eq3A_204 : vector<16xi32>
      %broadcast_in_dim3A_206 = vector.broadcast %reduce_sum3A_203 : f32 to vector<16xf32>
      %select_n3A = arith.select %eq3A_205, %broadcast_in_dim3A_206, %broadcast_in_dim3A_184 : vector<16xi1>, vector<16xf32>
      %add3A_207 = arith.constant 1 : i32
      %add3A_208 = arith.addi %mul3A_183, %add3A_207 : i32
      %get3A_209 = arith.index_cast %add3A_208 : i32 to index
      %get3A_210 = arith.constant 0 : index
      %get3A_211 = tpu.vector_load %arg8[%get3A_209, %get3A_210] {strides = array<i32>} : memref<512x32xf32, #tpu.memory_space<vmem>>, vector<16xf32>,
      %get3A_212 = arith.index_cast %add3A_208 : i32 to index
      %get3A_213 = arith.constant 16 : index
      %get3A_214 = tpu.vector_load %arg8[%get3A_212, %get3A_213] {strides = array<i32>} : memref<512x32xf32, #tpu.memory_space<vmem>>, vector<16xf32>,
      %get3A_215 = arith.index_cast %add3A_208 : i32 to index
      %get3A_216 = arith.constant 0 : index
      %get3A_217 = tpu.vector_load %arg9[%get3A_215, %get3A_216] {strides = array<i32>} : memref<512x32xf32, #tpu.memory_space<vmem>>, vector<16xf32>,
      %get3A_218 = arith.index_cast %add3A_208 : i32 to index
      %get3A_219 = arith.constant 16 : index
      %get3A_220 = tpu.vector_load %arg9[%get3A_218, %get3A_219] {strides = array<i32>} : memref<512x32xf32, #tpu.memory_space<vmem>>, vector<16xf32>,
      %mul3A_221 = arith.mulf %get3A_211, %get3A_217 : vector<16xf32>
      %mul3A_222 = arith.mulf %get3A_214, %get3A_220 : vector<16xf32>
      %add3A_223 = arith.addf %mul3A_221, %mul3A_222 : vector<16xf32>
      %reduce_sum3A_224 = arith.constant true
      %reduce_sum3A_225 = vector.broadcast %reduce_sum3A_224 : i1 to vector<16xi1>
      %reduce_sum3A_226 = tpu.scan <sum>, %add3A_223 masked %reduce_sum3A_225 : vector<16xf32>, vector<16xi1> -> vector<16xf32>
      %reduce_sum3A_227 = vector.extract %reduce_sum3A_226[15] : f32 from vector<16xf32>
      %eq3A_228 = arith.constant 1 : i32
      %eq3A_229 = vector.broadcast %eq3A_228 : i32 to vector<16xi32>
      %eq3A_230 = arith.cmpi eq, %iota3A, %eq3A_229 : vector<16xi32>
      %broadcast_in_dim3A_231 = vector.broadcast %reduce_sum3A_227 : f32 to vector<16xf32>
      %select_n3A_232 = arith.select %eq3A_230, %broadcast_in_dim3A_231, %select_n3A : vector<16xi1>, vector<16xf32>
      %add3A_233 = arith.constant 2 : i32
      %add3A_234 = arith.addi %mul3A_183, %add3A_233 : i32
      %get3A_235 = arith.index_cast %add3A_234 : i32 to index
      %get3A_236 = arith.constant 0 : index
      %get3A_237 = tpu.vector_load %arg8[%get3A_235, %get3A_236] {strides = array<i32>} : memref<512x32xf32, #tpu.memory_space<vmem>>, vector<16xf32>,
      %get3A_238 = arith.index_cast %add3A_234 : i32 to index
      %get3A_239 = arith.constant 16 : index
      %get3A_240 = tpu.vector_load %arg8[%get3A_238, %get3A_239] {strides = array<i32>} : memref<512x32xf32, #tpu.memory_space<vmem>>, vector<16xf32>,
      %get3A_241 = arith.index_cast %add3A_234 : i32 to index
      %get3A_242 = arith.constant 0 : index
      %get3A_243 = tpu.vector_load %arg9[%get3A_241, %get3A_242] {strides = array<i32>} : memref<512x32xf32, #tpu.memory_space<vmem>>, vector<16xf32>,
      %get3A_244 = arith.index_cast %add3A_234 : i32 to index
      %get3A_245 = arith.constant 16 : index
      %get3A_246 = tpu.vector_load %arg9[%get3A_244, %get3A_245] {strides = array<i32>} : memref<512x32xf32, #tpu.memory_space<vmem>>, vector<16xf32>,
      %mul3A_247 = arith.mulf %get3A_237, %get3A_243 : vector<16xf32>
      %mul3A_248 = arith.mulf %get3A_240, %get3A_246 : vector<16xf32>
      %add3A_249 = arith.addf %mul3A_247, %mul3A_248 : vector<16xf32>
      %reduce_sum3A_250 = arith.constant true
      %reduce_sum3A_251 = vector.broadcast %reduce_sum3A_250 : i1 to vector<16xi1>
      %reduce_sum3A_252 = tpu.scan <sum>, %add3A_249 masked %reduce_sum3A_251 : vector<16xf32>, vector<16xi1> -> vector<16xf32>
      %reduce_sum3A_253 = vector.extract %reduce_sum3A_252[15] : f32 from vector<16xf32>
      %eq3A_254 = arith.constant 2 : i32
      %eq3A_255 = vector.broadcast %eq3A_254 : i32 to vector<16xi32>
      %eq3A_256 = arith.cmpi eq, %iota3A, %eq3A_255 : vector<16xi32>
      %broadcast_in_dim3A_257 = vector.broadcast %reduce_sum3A_253 : f32 to vector<16xf32>
      %select_n3A_258 = arith.select %eq3A_256, %broadcast_in_dim3A_257, %select_n3A_232 : vector<16xi1>, vector<16xf32>
      %add3A_259 = arith.constant 3 : i32
      %add3A_260 = arith.addi %mul3A_183, %add3A_259 : i32
      %get3A_261 = arith.index_cast %add3A_260 : i32 to index
      %get3A_262 = arith.constant 0 : index
      %get3A_263 = tpu.vector_load %arg8[%get3A_261, %get3A_262] {strides = array<i32>} : memref<512x32xf32, #tpu.memory_space<vmem>>, vector<16xf32>,
      %get3A_264 = arith.index_cast %add3A_260 : i32 to index
      %get3A_265 = arith.constant 16 : index
      %get3A_266 = tpu.vector_load %arg8[%get3A_264, %get3A_265] {strides = array<i32>} : memref<512x32xf32, #tpu.memory_space<vmem>>, vector<16xf32>,
      %get3A_267 = arith.index_cast %add3A_260 : i32 to index
      %get3A_268 = arith.constant 0 : index
      %get3A_269 = tpu.vector_load %arg9[%get3A_267, %get3A_268] {strides = array<i32>} : memref<512x32xf32, #tpu.memory_space<vmem>>, vector<16xf32>,
      %get3A_270 = arith.index_cast %add3A_260 : i32 to index
      %get3A_271 = arith.constant 16 : index
      %get3A_272 = tpu.vector_load %arg9[%get3A_270, %get3A_271] {strides = array<i32>} : memref<512x32xf32, #tpu.memory_space<vmem>>, vector<16xf32>,
      %mul3A_273 = arith.mulf %get3A_263, %get3A_269 : vector<16xf32>
      %mul3A_274 = arith.mulf %get3A_266, %get3A_272 : vector<16xf32>
      %add3A_275 = arith.addf %mul3A_273, %mul3A_274 : vector<16xf32>
      %reduce_sum3A_276 = arith.constant true
      %reduce_sum3A_277 = vector.broadcast %reduce_sum3A_276 : i1 to vector<16xi1>
      %reduce_sum3A_278 = tpu.scan <sum>, %add3A_275 masked %reduce_sum3A_277 : vector<16xf32>, vector<16xi1> -> vector<16xf32>
      %reduce_sum3A_279 = vector.extract %reduce_sum3A_278[15] : f32 from vector<16xf32>
      %eq3A_280 = arith.constant 3 : i32
      %eq3A_281 = vector.broadcast %eq3A_280 : i32 to vector<16xi32>
      %eq3A_282 = arith.cmpi eq, %iota3A, %eq3A_281 : vector<16xi32>
      %broadcast_in_dim3A_283 = vector.broadcast %reduce_sum3A_279 : f32 to vector<16xf32>
      %select_n3A_284 = arith.select %eq3A_282, %broadcast_in_dim3A_283, %select_n3A_258 : vector<16xi1>, vector<16xf32>
      %add3A_285 = arith.constant 4 : i32
      %add3A_286 = arith.addi %mul3A_183, %add3A_285 : i32
      %get3A_287 = arith.index_cast %add3A_286 : i32 to index
      %get3A_288 = arith.constant 0 : index
      %get3A_289 = tpu.vector_load %arg8[%get3A_287, %get3A_288] {strides = array<i32>} : memref<512x32xf32, #tpu.memory_space<vmem>>, vector<16xf32>,
      %get3A_290 = arith.index_cast %add3A_286 : i32 to index
      %get3A_291 = arith.constant 16 : index
      %get3A_292 = tpu.vector_load %arg8[%get3A_290, %get3A_291] {strides = array<i32>} : memref<512x32xf32, #tpu.memory_space<vmem>>, vector<16xf32>,
      %get3A_293 = arith.index_cast %add3A_286 : i32 to index
      %get3A_294 = arith.constant 0 : index
      %get3A_295 = tpu.vector_load %arg9[%get3A_293, %get3A_294] {strides = array<i32>} : memref<512x32xf32, #tpu.memory_space<vmem>>, vector<16xf32>,
      %get3A_296 = arith.index_cast %add3A_286 : i32 to index
      %get3A_297 = arith.constant 16 : index
      %get3A_298 = tpu.vector_load %arg9[%get3A_296, %get3A_297] {strides = array<i32>} : memref<512x32xf32, #tpu.memory_space<vmem>>, vector<16xf32>,
      %mul3A_299 = arith.mulf %get3A_289, %get3A_295 : vector<16xf32>
      %mul3A_300 = arith.mulf %get3A_292, %get3A_298 : vector<16xf32>
      %add3A_301 = arith.addf %mul3A_299, %mul3A_300 : vector<16xf32>
      %reduce_sum3A_302 = arith.constant true
      %reduce_sum3A_303 = vector.broadcast %reduce_sum3A_302 : i1 to vector<16xi1>
      %reduce_sum3A_304 = tpu.scan <sum>, %add3A_301 masked %reduce_sum3A_303 : vector<16xf32>, vector<16xi1> -> vector<16xf32>
      %reduce_sum3A_305 = vector.extract %reduce_sum3A_304[15] : f32 from vector<16xf32>
      %eq3A_306 = arith.constant 4 : i32
      %eq3A_307 = vector.broadcast %eq3A_306 : i32 to vector<16xi32>
      %eq3A_308 = arith.cmpi eq, %iota3A, %eq3A_307 : vector<16xi32>
      %broadcast_in_dim3A_309 = vector.broadcast %reduce_sum3A_305 : f32 to vector<16xf32>
      %select_n3A_310 = arith.select %eq3A_308, %broadcast_in_dim3A_309, %select_n3A_284 : vector<16xi1>, vector<16xf32>
      %add3A_311 = arith.constant 5 : i32
      %add3A_312 = arith.addi %mul3A_183, %add3A_311 : i32
      %get3A_313 = arith.index_cast %add3A_312 : i32 to index
      %get3A_314 = arith.constant 0 : index
      %get3A_315 = tpu.vector_load %arg8[%get3A_313, %get3A_314] {strides = array<i32>} : memref<512x32xf32, #tpu.memory_space<vmem>>, vector<16xf32>,
      %get3A_316 = arith.index_cast %add3A_312 : i32 to index
      %get3A_317 = arith.constant 16 : index
      %get3A_318 = tpu.vector_load %arg8[%get3A_316, %get3A_317] {strides = array<i32>} : memref<512x32xf32, #tpu.memory_space<vmem>>, vector<16xf32>,
      %get3A_319 = arith.index_cast %add3A_312 : i32 to index
      %get3A_320 = arith.constant 0 : index
      %get3A_321 = tpu.vector_load %arg9[%get3A_319, %get3A_320] {strides = array<i32>} : memref<512x32xf32, #tpu.memory_space<vmem>>, vector<16xf32>,
      %get3A_322 = arith.index_cast %add3A_312 : i32 to index
      %get3A_323 = arith.constant 16 : index
      %get3A_324 = tpu.vector_load %arg9[%get3A_322, %get3A_323] {strides = array<i32>} : memref<512x32xf32, #tpu.memory_space<vmem>>, vector<16xf32>,
      %mul3A_325 = arith.mulf %get3A_315, %get3A_321 : vector<16xf32>
      %mul3A_326 = arith.mulf %get3A_318, %get3A_324 : vector<16xf32>
      %add3A_327 = arith.addf %mul3A_325, %mul3A_326 : vector<16xf32>
      %reduce_sum3A_328 = arith.constant true
      %reduce_sum3A_329 = vector.broadcast %reduce_sum3A_328 : i1 to vector<16xi1>
      %reduce_sum3A_330 = tpu.scan <sum>, %add3A_327 masked %reduce_sum3A_329 : vector<16xf32>, vector<16xi1> -> vector<16xf32>
      %reduce_sum3A_331 = vector.extract %reduce_sum3A_330[15] : f32 from vector<16xf32>
      %eq3A_332 = arith.constant 5 : i32
      %eq3A_333 = vector.broadcast %eq3A_332 : i32 to vector<16xi32>
      %eq3A_334 = arith.cmpi eq, %iota3A, %eq3A_333 : vector<16xi32>
      %broadcast_in_dim3A_335 = vector.broadcast %reduce_sum3A_331 : f32 to vector<16xf32>
      %select_n3A_336 = arith.select %eq3A_334, %broadcast_in_dim3A_335, %select_n3A_310 : vector<16xi1>, vector<16xf32>
      %add3A_337 = arith.constant 6 : i32
      %add3A_338 = arith.addi %mul3A_183, %add3A_337 : i32
      %get3A_339 = arith.index_cast %add3A_338 : i32 to index
      %get3A_340 = arith.constant 0 : index
      %get3A_341 = tpu.vector_load %arg8[%get3A_339, %get3A_340] {strides = array<i32>} : memref<512x32xf32, #tpu.memory_space<vmem>>, vector<16xf32>,
      %get3A_342 = arith.index_cast %add3A_338 : i32 to index
      %get3A_343 = arith.constant 16 : index
      %get3A_344 = tpu.vector_load %arg8[%get3A_342, %get3A_343] {strides = array<i32>} : memref<512x32xf32, #tpu.memory_space<vmem>>, vector<16xf32>,
      %get3A_345 = arith.index_cast %add3A_338 : i32 to index
      %get3A_346 = arith.constant 0 : index
      %get3A_347 = tpu.vector_load %arg9[%get3A_345, %get3A_346] {strides = array<i32>} : memref<512x32xf32, #tpu.memory_space<vmem>>, vector<16xf32>,
      %get3A_348 = arith.index_cast %add3A_338 : i32 to index
      %get3A_349 = arith.constant 16 : index
      %get3A_350 = tpu.vector_load %arg9[%get3A_348, %get3A_349] {strides = array<i32>} : memref<512x32xf32, #tpu.memory_space<vmem>>, vector<16xf32>,
      %mul3A_351 = arith.mulf %get3A_341, %get3A_347 : vector<16xf32>
      %mul3A_352 = arith.mulf %get3A_344, %get3A_350 : vector<16xf32>
      %add3A_353 = arith.addf %mul3A_351, %mul3A_352 : vector<16xf32>
      %reduce_sum3A_354 = arith.constant true
      %reduce_sum3A_355 = vector.broadcast %reduce_sum3A_354 : i1 to vector<16xi1>
      %reduce_sum3A_356 = tpu.scan <sum>, %add3A_353 masked %reduce_sum3A_355 : vector<16xf32>, vector<16xi1> -> vector<16xf32>
      %reduce_sum3A_357 = vector.extract %reduce_sum3A_356[15] : f32 from vector<16xf32>
      %eq3A_358 = arith.constant 6 : i32
      %eq3A_359 = vector.broadcast %eq3A_358 : i32 to vector<16xi32>
      %eq3A_360 = arith.cmpi eq, %iota3A, %eq3A_359 : vector<16xi32>
      %broadcast_in_dim3A_361 = vector.broadcast %reduce_sum3A_357 : f32 to vector<16xf32>
      %select_n3A_362 = arith.select %eq3A_360, %broadcast_in_dim3A_361, %select_n3A_336 : vector<16xi1>, vector<16xf32>
      %add3A_363 = arith.constant 7 : i32
      %add3A_364 = arith.addi %mul3A_183, %add3A_363 : i32
      %get3A_365 = arith.index_cast %add3A_364 : i32 to index
      %get3A_366 = arith.constant 0 : index
      %get3A_367 = tpu.vector_load %arg8[%get3A_365, %get3A_366] {strides = array<i32>} : memref<512x32xf32, #tpu.memory_space<vmem>>, vector<16xf32>,
      %get3A_368 = arith.index_cast %add3A_364 : i32 to index
      %get3A_369 = arith.constant 16 : index
      %get3A_370 = tpu.vector_load %arg8[%get3A_368, %get3A_369] {strides = array<i32>} : memref<512x32xf32, #tpu.memory_space<vmem>>, vector<16xf32>,
      %get3A_371 = arith.index_cast %add3A_364 : i32 to index
      %get3A_372 = arith.constant 0 : index
      %get3A_373 = tpu.vector_load %arg9[%get3A_371, %get3A_372] {strides = array<i32>} : memref<512x32xf32, #tpu.memory_space<vmem>>, vector<16xf32>,
      %get3A_374 = arith.index_cast %add3A_364 : i32 to index
      %get3A_375 = arith.constant 16 : index
      %get3A_376 = tpu.vector_load %arg9[%get3A_374, %get3A_375] {strides = array<i32>} : memref<512x32xf32, #tpu.memory_space<vmem>>, vector<16xf32>,
      %mul3A_377 = arith.mulf %get3A_367, %get3A_373 : vector<16xf32>
      %mul3A_378 = arith.mulf %get3A_370, %get3A_376 : vector<16xf32>
      %add3A_379 = arith.addf %mul3A_377, %mul3A_378 : vector<16xf32>
      %reduce_sum3A_380 = arith.constant true
      %reduce_sum3A_381 = vector.broadcast %reduce_sum3A_380 : i1 to vector<16xi1>
      %reduce_sum3A_382 = tpu.scan <sum>, %add3A_379 masked %reduce_sum3A_381 : vector<16xf32>, vector<16xi1> -> vector<16xf32>
      %reduce_sum3A_383 = vector.extract %reduce_sum3A_382[15] : f32 from vector<16xf32>
      %eq3A_384 = arith.constant 7 : i32
      %eq3A_385 = vector.broadcast %eq3A_384 : i32 to vector<16xi32>
      %eq3A_386 = arith.cmpi eq, %iota3A, %eq3A_385 : vector<16xi32>
      %broadcast_in_dim3A_387 = vector.broadcast %reduce_sum3A_383 : f32 to vector<16xf32>
      %select_n3A_388 = arith.select %eq3A_386, %broadcast_in_dim3A_387, %select_n3A_362 : vector<16xi1>, vector<16xf32>
      %add3A_389 = arith.constant 8 : i32
      %add3A_390 = arith.addi %mul3A_183, %add3A_389 : i32
      %get3A_391 = arith.index_cast %add3A_390 : i32 to index
      %get3A_392 = arith.constant 0 : index
      %get3A_393 = tpu.vector_load %arg8[%get3A_391, %get3A_392] {strides = array<i32>} : memref<512x32xf32, #tpu.memory_space<vmem>>, vector<16xf32>,
      %get3A_394 = arith.index_cast %add3A_390 : i32 to index
      %get3A_395 = arith.constant 16 : index
      %get3A_396 = tpu.vector_load %arg8[%get3A_394, %get3A_395] {strides = array<i32>} : memref<512x32xf32, #tpu.memory_space<vmem>>, vector<16xf32>,
      %get3A_397 = arith.index_cast %add3A_390 : i32 to index
      %get3A_398 = arith.constant 0 : index
      %get3A_399 = tpu.vector_load %arg9[%get3A_397, %get3A_398] {strides = array<i32>} : memref<512x32xf32, #tpu.memory_space<vmem>>, vector<16xf32>,
      %get3A_400 = arith.index_cast %add3A_390 : i32 to index
      %get3A_401 = arith.constant 16 : index
      %get3A_402 = tpu.vector_load %arg9[%get3A_400, %get3A_401] {strides = array<i32>} : memref<512x32xf32, #tpu.memory_space<vmem>>, vector<16xf32>,
      %mul3A_403 = arith.mulf %get3A_393, %get3A_399 : vector<16xf32>
      %mul3A_404 = arith.mulf %get3A_396, %get3A_402 : vector<16xf32>
      %add3A_405 = arith.addf %mul3A_403, %mul3A_404 : vector<16xf32>
      %reduce_sum3A_406 = arith.constant true
      %reduce_sum3A_407 = vector.broadcast %reduce_sum3A_406 : i1 to vector<16xi1>
      %reduce_sum3A_408 = tpu.scan <sum>, %add3A_405 masked %reduce_sum3A_407 : vector<16xf32>, vector<16xi1> -> vector<16xf32>
      %reduce_sum3A_409 = vector.extract %reduce_sum3A_408[15] : f32 from vector<16xf32>
      %eq3A_410 = arith.constant 8 : i32
      %eq3A_411 = vector.broadcast %eq3A_410 : i32 to vector<16xi32>
      %eq3A_412 = arith.cmpi eq, %iota3A, %eq3A_411 : vector<16xi32>
      %broadcast_in_dim3A_413 = vector.broadcast %reduce_sum3A_409 : f32 to vector<16xf32>
      %select_n3A_414 = arith.select %eq3A_412, %broadcast_in_dim3A_413, %select_n3A_388 : vector<16xi1>, vector<16xf32>
      %add3A_415 = arith.constant 9 : i32
      %add3A_416 = arith.addi %mul3A_183, %add3A_415 : i32
      %get3A_417 = arith.index_cast %add3A_416 : i32 to index
      %get3A_418 = arith.constant 0 : index
      %get3A_419 = tpu.vector_load %arg8[%get3A_417, %get3A_418] {strides = array<i32>} : memref<512x32xf32, #tpu.memory_space<vmem>>, vector<16xf32>,
      %get3A_420 = arith.index_cast %add3A_416 : i32 to index
      %get3A_421 = arith.constant 16 : index
      %get3A_422 = tpu.vector_load %arg8[%get3A_420, %get3A_421] {strides = array<i32>} : memref<512x32xf32, #tpu.memory_space<vmem>>, vector<16xf32>,
      %get3A_423 = arith.index_cast %add3A_416 : i32 to index
      %get3A_424 = arith.constant 0 : index
      %get3A_425 = tpu.vector_load %arg9[%get3A_423, %get3A_424] {strides = array<i32>} : memref<512x32xf32, #tpu.memory_space<vmem>>, vector<16xf32>,
      %get3A_426 = arith.index_cast %add3A_416 : i32 to index
      %get3A_427 = arith.constant 16 : index
      %get3A_428 = tpu.vector_load %arg9[%get3A_426, %get3A_427] {strides = array<i32>} : memref<512x32xf32, #tpu.memory_space<vmem>>, vector<16xf32>,
      %mul3A_429 = arith.mulf %get3A_419, %get3A_425 : vector<16xf32>
      %mul3A_430 = arith.mulf %get3A_422, %get3A_428 : vector<16xf32>
      %add3A_431 = arith.addf %mul3A_429, %mul3A_430 : vector<16xf32>
      %reduce_sum3A_432 = arith.constant true
      %reduce_sum3A_433 = vector.broadcast %reduce_sum3A_432 : i1 to vector<16xi1>
      %reduce_sum3A_434 = tpu.scan <sum>, %add3A_431 masked %reduce_sum3A_433 : vector<16xf32>, vector<16xi1> -> vector<16xf32>
      %reduce_sum3A_435 = vector.extract %reduce_sum3A_434[15] : f32 from vector<16xf32>
      %eq3A_436 = arith.constant 9 : i32
      %eq3A_437 = vector.broadcast %eq3A_436 : i32 to vector<16xi32>
      %eq3A_438 = arith.cmpi eq, %iota3A, %eq3A_437 : vector<16xi32>
      %broadcast_in_dim3A_439 = vector.broadcast %reduce_sum3A_435 : f32 to vector<16xf32>
      %select_n3A_440 = arith.select %eq3A_438, %broadcast_in_dim3A_439, %select_n3A_414 : vector<16xi1>, vector<16xf32>
      %add3A_441 = arith.constant 10 : i32
      %add3A_442 = arith.addi %mul3A_183, %add3A_441 : i32
      %get3A_443 = arith.index_cast %add3A_442 : i32 to index
      %get3A_444 = arith.constant 0 : index
      %get3A_445 = tpu.vector_load %arg8[%get3A_443, %get3A_444] {strides = array<i32>} : memref<512x32xf32, #tpu.memory_space<vmem>>, vector<16xf32>,
      %get3A_446 = arith.index_cast %add3A_442 : i32 to index
      %get3A_447 = arith.constant 16 : index
      %get3A_448 = tpu.vector_load %arg8[%get3A_446, %get3A_447] {strides = array<i32>} : memref<512x32xf32, #tpu.memory_space<vmem>>, vector<16xf32>,
      %get3A_449 = arith.index_cast %add3A_442 : i32 to index
      %get3A_450 = arith.constant 0 : index
      %get3A_451 = tpu.vector_load %arg9[%get3A_449, %get3A_450] {strides = array<i32>} : memref<512x32xf32, #tpu.memory_space<vmem>>, vector<16xf32>,
      %get3A_452 = arith.index_cast %add3A_442 : i32 to index
      %get3A_453 = arith.constant 16 : index
      %get3A_454 = tpu.vector_load %arg9[%get3A_452, %get3A_453] {strides = array<i32>} : memref<512x32xf32, #tpu.memory_space<vmem>>, vector<16xf32>,
      %mul3A_455 = arith.mulf %get3A_445, %get3A_451 : vector<16xf32>
      %mul3A_456 = arith.mulf %get3A_448, %get3A_454 : vector<16xf32>
      %add3A_457 = arith.addf %mul3A_455, %mul3A_456 : vector<16xf32>
      %reduce_sum3A_458 = arith.constant true
      %reduce_sum3A_459 = vector.broadcast %reduce_sum3A_458 : i1 to vector<16xi1>
      %reduce_sum3A_460 = tpu.scan <sum>, %add3A_457 masked %reduce_sum3A_459 : vector<16xf32>, vector<16xi1> -> vector<16xf32>
      %reduce_sum3A_461 = vector.extract %reduce_sum3A_460[15] : f32 from vector<16xf32>
      %eq3A_462 = arith.constant 10 : i32
      %eq3A_463 = vector.broadcast %eq3A_462 : i32 to vector<16xi32>
      %eq3A_464 = arith.cmpi eq, %iota3A, %eq3A_463 : vector<16xi32>
      %broadcast_in_dim3A_465 = vector.broadcast %reduce_sum3A_461 : f32 to vector<16xf32>
      %select_n3A_466 = arith.select %eq3A_464, %broadcast_in_dim3A_465, %select_n3A_440 : vector<16xi1>, vector<16xf32>
      %add3A_467 = arith.constant 11 : i32
      %add3A_468 = arith.addi %mul3A_183, %add3A_467 : i32
      %get3A_469 = arith.index_cast %add3A_468 : i32 to index
      %get3A_470 = arith.constant 0 : index
      %get3A_471 = tpu.vector_load %arg8[%get3A_469, %get3A_470] {strides = array<i32>} : memref<512x32xf32, #tpu.memory_space<vmem>>, vector<16xf32>,
      %get3A_472 = arith.index_cast %add3A_468 : i32 to index
      %get3A_473 = arith.constant 16 : index
      %get3A_474 = tpu.vector_load %arg8[%get3A_472, %get3A_473] {strides = array<i32>} : memref<512x32xf32, #tpu.memory_space<vmem>>, vector<16xf32>,
      %get3A_475 = arith.index_cast %add3A_468 : i32 to index
      %get3A_476 = arith.constant 0 : index
      %get3A_477 = tpu.vector_load %arg9[%get3A_475, %get3A_476] {strides = array<i32>} : memref<512x32xf32, #tpu.memory_space<vmem>>, vector<16xf32>,
      %get3A_478 = arith.index_cast %add3A_468 : i32 to index
      %get3A_479 = arith.constant 16 : index
      %get3A_480 = tpu.vector_load %arg9[%get3A_478, %get3A_479] {strides = array<i32>} : memref<512x32xf32, #tpu.memory_space<vmem>>, vector<16xf32>,
      %mul3A_481 = arith.mulf %get3A_471, %get3A_477 : vector<16xf32>
      %mul3A_482 = arith.mulf %get3A_474, %get3A_480 : vector<16xf32>
      %add3A_483 = arith.addf %mul3A_481, %mul3A_482 : vector<16xf32>
      %reduce_sum3A_484 = arith.constant true
      %reduce_sum3A_485 = vector.broadcast %reduce_sum3A_484 : i1 to vector<16xi1>
      %reduce_sum3A_486 = tpu.scan <sum>, %add3A_483 masked %reduce_sum3A_485 : vector<16xf32>, vector<16xi1> -> vector<16xf32>
      %reduce_sum3A_487 = vector.extract %reduce_sum3A_486[15] : f32 from vector<16xf32>
      %eq3A_488 = arith.constant 11 : i32
      %eq3A_489 = vector.broadcast %eq3A_488 : i32 to vector<16xi32>
      %eq3A_490 = arith.cmpi eq, %iota3A, %eq3A_489 : vector<16xi32>
      %broadcast_in_dim3A_491 = vector.broadcast %reduce_sum3A_487 : f32 to vector<16xf32>
      %select_n3A_492 = arith.select %eq3A_490, %broadcast_in_dim3A_491, %select_n3A_466 : vector<16xi1>, vector<16xf32>
      %add3A_493 = arith.constant 12 : i32
      %add3A_494 = arith.addi %mul3A_183, %add3A_493 : i32
      %get3A_495 = arith.index_cast %add3A_494 : i32 to index
      %get3A_496 = arith.constant 0 : index
      %get3A_497 = tpu.vector_load %arg8[%get3A_495, %get3A_496] {strides = array<i32>} : memref<512x32xf32, #tpu.memory_space<vmem>>, vector<16xf32>,
      %get3A_498 = arith.index_cast %add3A_494 : i32 to index
      %get3A_499 = arith.constant 16 : index
      %get3A_500 = tpu.vector_load %arg8[%get3A_498, %get3A_499] {strides = array<i32>} : memref<512x32xf32, #tpu.memory_space<vmem>>, vector<16xf32>,
      %get3A_501 = arith.index_cast %add3A_494 : i32 to index
      %get3A_502 = arith.constant 0 : index
      %get3A_503 = tpu.vector_load %arg9[%get3A_501, %get3A_502] {strides = array<i32>} : memref<512x32xf32, #tpu.memory_space<vmem>>, vector<16xf32>,
      %get3A_504 = arith.index_cast %add3A_494 : i32 to index
      %get3A_505 = arith.constant 16 : index
      %get3A_506 = tpu.vector_load %arg9[%get3A_504, %get3A_505] {strides = array<i32>} : memref<512x32xf32, #tpu.memory_space<vmem>>, vector<16xf32>,
      %mul3A_507 = arith.mulf %get3A_497, %get3A_503 : vector<16xf32>
      %mul3A_508 = arith.mulf %get3A_500, %get3A_506 : vector<16xf32>
      %add3A_509 = arith.addf %mul3A_507, %mul3A_508 : vector<16xf32>
      %reduce_sum3A_510 = arith.constant true
      %reduce_sum3A_511 = vector.broadcast %reduce_sum3A_510 : i1 to vector<16xi1>
      %reduce_sum3A_512 = tpu.scan <sum>, %add3A_509 masked %reduce_sum3A_511 : vector<16xf32>, vector<16xi1> -> vector<16xf32>
      %reduce_sum3A_513 = vector.extract %reduce_sum3A_512[15] : f32 from vector<16xf32>
      %eq3A_514 = arith.constant 12 : i32
      %eq3A_515 = vector.broadcast %eq3A_514 : i32 to vector<16xi32>
      %eq3A_516 = arith.cmpi eq, %iota3A, %eq3A_515 : vector<16xi32>
      %broadcast_in_dim3A_517 = vector.broadcast %reduce_sum3A_513 : f32 to vector<16xf32>
      %select_n3A_518 = arith.select %eq3A_516, %broadcast_in_dim3A_517, %select_n3A_492 : vector<16xi1>, vector<16xf32>
      %add3A_519 = arith.constant 13 : i32
      %add3A_520 = arith.addi %mul3A_183, %add3A_519 : i32
      %get3A_521 = arith.index_cast %add3A_520 : i32 to index
      %get3A_522 = arith.constant 0 : index
      %get3A_523 = tpu.vector_load %arg8[%get3A_521, %get3A_522] {strides = array<i32>} : memref<512x32xf32, #tpu.memory_space<vmem>>, vector<16xf32>,
      %get3A_524 = arith.index_cast %add3A_520 : i32 to index
      %get3A_525 = arith.constant 16 : index
      %get3A_526 = tpu.vector_load %arg8[%get3A_524, %get3A_525] {strides = array<i32>} : memref<512x32xf32, #tpu.memory_space<vmem>>, vector<16xf32>,
      %get3A_527 = arith.index_cast %add3A_520 : i32 to index
      %get3A_528 = arith.constant 0 : index
      %get3A_529 = tpu.vector_load %arg9[%get3A_527, %get3A_528] {strides = array<i32>} : memref<512x32xf32, #tpu.memory_space<vmem>>, vector<16xf32>,
      %get3A_530 = arith.index_cast %add3A_520 : i32 to index
      %get3A_531 = arith.constant 16 : index
      %get3A_532 = tpu.vector_load %arg9[%get3A_530, %get3A_531] {strides = array<i32>} : memref<512x32xf32, #tpu.memory_space<vmem>>, vector<16xf32>,
      %mul3A_533 = arith.mulf %get3A_523, %get3A_529 : vector<16xf32>
      %mul3A_534 = arith.mulf %get3A_526, %get3A_532 : vector<16xf32>
      %add3A_535 = arith.addf %mul3A_533, %mul3A_534 : vector<16xf32>
      %reduce_sum3A_536 = arith.constant true
      %reduce_sum3A_537 = vector.broadcast %reduce_sum3A_536 : i1 to vector<16xi1>
      %reduce_sum3A_538 = tpu.scan <sum>, %add3A_535 masked %reduce_sum3A_537 : vector<16xf32>, vector<16xi1> -> vector<16xf32>
      %reduce_sum3A_539 = vector.extract %reduce_sum3A_538[15] : f32 from vector<16xf32>
      %eq3A_540 = arith.constant 13 : i32
      %eq3A_541 = vector.broadcast %eq3A_540 : i32 to vector<16xi32>
      %eq3A_542 = arith.cmpi eq, %iota3A, %eq3A_541 : vector<16xi32>
      %broadcast_in_dim3A_543 = vector.broadcast %reduce_sum3A_539 : f32 to vector<16xf32>
      %select_n3A_544 = arith.select %eq3A_542, %broadcast_in_dim3A_543, %select_n3A_518 : vector<16xi1>, vector<16xf32>
      %add3A_545 = arith.constant 14 : i32
      %add3A_546 = arith.addi %mul3A_183, %add3A_545 : i32
      %get3A_547 = arith.index_cast %add3A_546 : i32 to index
      %get3A_548 = arith.constant 0 : index
      %get3A_549 = tpu.vector_load %arg8[%get3A_547, %get3A_548] {strides = array<i32>} : memref<512x32xf32, #tpu.memory_space<vmem>>, vector<16xf32>,
      %get3A_550 = arith.index_cast %add3A_546 : i32 to index
      %get3A_551 = arith.constant 16 : index
      %get3A_552 = tpu.vector_load %arg8[%get3A_550, %get3A_551] {strides = array<i32>} : memref<512x32xf32, #tpu.memory_space<vmem>>, vector<16xf32>,
      %get3A_553 = arith.index_cast %add3A_546 : i32 to index
      %get3A_554 = arith.constant 0 : index
      %get3A_555 = tpu.vector_load %arg9[%get3A_553, %get3A_554] {strides = array<i32>} : memref<512x32xf32, #tpu.memory_space<vmem>>, vector<16xf32>,
      %get3A_556 = arith.index_cast %add3A_546 : i32 to index
      %get3A_557 = arith.constant 16 : index
      %get3A_558 = tpu.vector_load %arg9[%get3A_556, %get3A_557] {strides = array<i32>} : memref<512x32xf32, #tpu.memory_space<vmem>>, vector<16xf32>,
      %mul3A_559 = arith.mulf %get3A_549, %get3A_555 : vector<16xf32>
      %mul3A_560 = arith.mulf %get3A_552, %get3A_558 : vector<16xf32>
      %add3A_561 = arith.addf %mul3A_559, %mul3A_560 : vector<16xf32>
      %reduce_sum3A_562 = arith.constant true
      %reduce_sum3A_563 = vector.broadcast %reduce_sum3A_562 : i1 to vector<16xi1>
      %reduce_sum3A_564 = tpu.scan <sum>, %add3A_561 masked %reduce_sum3A_563 : vector<16xf32>, vector<16xi1> -> vector<16xf32>
      %reduce_sum3A_565 = vector.extract %reduce_sum3A_564[15] : f32 from vector<16xf32>
      %eq3A_566 = arith.constant 14 : i32
      %eq3A_567 = vector.broadcast %eq3A_566 : i32 to vector<16xi32>
      %eq3A_568 = arith.cmpi eq, %iota3A, %eq3A_567 : vector<16xi32>
      %broadcast_in_dim3A_569 = vector.broadcast %reduce_sum3A_565 : f32 to vector<16xf32>
      %select_n3A_570 = arith.select %eq3A_568, %broadcast_in_dim3A_569, %select_n3A_544 : vector<16xi1>, vector<16xf32>
      %add3A_571 = arith.constant 15 : i32
      %add3A_572 = arith.addi %mul3A_183, %add3A_571 : i32
      %get3A_573 = arith.index_cast %add3A_572 : i32 to index
      %get3A_574 = arith.constant 0 : index
      %get3A_575 = tpu.vector_load %arg8[%get3A_573, %get3A_574] {strides = array<i32>} : memref<512x32xf32, #tpu.memory_space<vmem>>, vector<16xf32>,
      %get3A_576 = arith.index_cast %add3A_572 : i32 to index
      %get3A_577 = arith.constant 16 : index
      %get3A_578 = tpu.vector_load %arg8[%get3A_576, %get3A_577] {strides = array<i32>} : memref<512x32xf32, #tpu.memory_space<vmem>>, vector<16xf32>,
      %get3A_579 = arith.index_cast %add3A_572 : i32 to index
      %get3A_580 = arith.constant 0 : index
      %get3A_581 = tpu.vector_load %arg9[%get3A_579, %get3A_580] {strides = array<i32>} : memref<512x32xf32, #tpu.memory_space<vmem>>, vector<16xf32>,
      %get3A_582 = arith.index_cast %add3A_572 : i32 to index
      %get3A_583 = arith.constant 16 : index
      %get3A_584 = tpu.vector_load %arg9[%get3A_582, %get3A_583] {strides = array<i32>} : memref<512x32xf32, #tpu.memory_space<vmem>>, vector<16xf32>,
      %mul3A_585 = arith.mulf %get3A_575, %get3A_581 : vector<16xf32>
      %mul3A_586 = arith.mulf %get3A_578, %get3A_584 : vector<16xf32>
      %add3A_587 = arith.addf %mul3A_585, %mul3A_586 : vector<16xf32>
      %reduce_sum3A_588 = arith.constant true
      %reduce_sum3A_589 = vector.broadcast %reduce_sum3A_588 : i1 to vector<16xi1>
      %reduce_sum3A_590 = tpu.scan <sum>, %add3A_587 masked %reduce_sum3A_589 : vector<16xf32>, vector<16xi1> -> vector<16xf32>
      %reduce_sum3A_591 = vector.extract %reduce_sum3A_590[15] : f32 from vector<16xf32>
      %eq3A_592 = arith.constant 15 : i32
      %eq3A_593 = vector.broadcast %eq3A_592 : i32 to vector<16xi32>
      %eq3A_594 = arith.cmpi eq, %iota3A, %eq3A_593 : vector<16xi32>
      %broadcast_in_dim3A_595 = vector.broadcast %reduce_sum3A_591 : f32 to vector<16xf32>
      %select_n3A_596 = arith.select %eq3A_594, %broadcast_in_dim3A_595, %select_n3A_570 : vector<16xi1>, vector<16xf32>
      %swap3A = arith.index_cast %mul3A_183 : i32 to index
      %swap3A_597 = tpu.vector_load %arg10[%swap3A] {strides = array<i32>} : memref<512xf32, #tpu.memory_space<vmem>>, vector<16xf32>,
      tpu.vector_store %arg10[%swap3A], %select_n3A_596 {strides = array<i32>} : memref<512xf32, #tpu.memory_space<vmem>>, vector<16xf32>,
    }
    %scan3A_180 = arith.constant 32 : i32
    "tpu.region"() ({
      %run_scoped3A_181 = tpu.sem_alloc : memref<!tpu.dma_semaphore, #tpu.memory_space<semaphore_mem>>
      %dma_start3A_182 = tpu.memref_slice %arg5[%mul3A_2] : memref<16384xf32, #tpu.memory_space<hbm>> -> memref<512xf32, #tpu.memory_space<hbm>>
      %dma_start3A_183 = tpu.memref_slice %arg5[%mul3A_2] : memref<16384xf32, #tpu.memory_space<hbm>> -> memref<512xf32, #tpu.memory_space<hbm>>
      tpu.enqueue_dma source(%arg10 : memref<512xf32, #tpu.memory_space<vmem>>) target(%dma_start3A_183 : memref<512xf32, #tpu.memory_space<hbm>>) target_semaphore(%run_scoped3A_181 : memref<!tpu.dma_semaphore, #tpu.memory_space<semaphore_mem>>)
      %dma_wait3A_184 = tpu.memref_slice %arg5[%mul3A_2] : memref<16384xf32, #tpu.memory_space<hbm>> -> memref<512xf32, #tpu.memory_space<hbm>>
      %dma_wait3A_185 = tpu.memref_slice %arg5[%mul3A_2] : memref<16384xf32, #tpu.memory_space<hbm>> -> memref<512xf32, #tpu.memory_space<hbm>>
      tpu.wait_dma2 semaphore(%run_scoped3A_181 : memref<!tpu.dma_semaphore, #tpu.memory_space<semaphore_mem>>) src(%arg10 : memref<512xf32, #tpu.memory_space<vmem>>) dst(%dma_wait3A_185 : memref<512xf32, #tpu.memory_space<hbm>>)
      tpu.yield
    }) : () -> ()
    return
  }
}

</mosaic_0001>

<sc_bundles>
// kernel: kernel.3.cloned.1.call-start
scs
__scs_entry_jumppad:
0x0: {  	(pc) =	sbr.rel $0x88, $3  }
0x1: {  	(tag) =	ssettag $0x0;
	lr =	simm.s32 $0x1  }
0x2: {  	[smem:$0x3F9E] =	sst lr;
	_ =	strace $0xD0000000  }
0x3: {  	_ = 	snop  }
0x4: {  	_ = 	snop  }
0x5: {  	_ = 	snop  }
0x6: {  	_ = 	snop  }
0x7: {  	_ = 	snop  }
__scs_overlays_trampoline_lowered:
0x8: {  	[smem:$0x3FAD] =	sst s0  }
0x9: {  	[smem:$0x3FAE] =	sst s1  }
0xa: {  	[smem:$0x3FAF] =	sst s2  }
0xb: {  	[smem:$0x3FB0] =	sst s3  }
0xc: {  	[smem:$0x3FB1] =	sst s4  }
0xd: {  	[smem:$0x3FB2] =	sst s5  }
0xe: {  	[smem:$0x3FB3] =	sst s6  }
0xf: {  	[smem:$0x3FB4] =	sst s7  }
0x10: {  	[smem:$0x3FB5] =	sst s8  }
0x11: {  	[smem:$0x3FB6] =	sst s9;
	s0 =	simm.s32 @!p0 $0x0  }
0x12: {  	s1 =	sld [smem:$0x3F9C];
	s0 =	simm.s32 @p0 $0x1  }
0x13: {  	[smem:$0x3FB7] =	sst s0;
	s0 =	simm.s32 @!p1 $0x0  }
0x14: {  	s2 =	sld [smem:$0x3F9B];
	s0 =	simm.s32 @p1 $0x1  }
0x15: {  	[smem:$0x3FB8] =	sst s0;
	s0 =	simm.s32 @!p2 $0x0  }
0x16: {  	s3 =	sld [smem:$0x3FDB];
	s0 =	simm.s32 @p2 $0x1  }
0x17: {  	s4 =	simm.s32 $0x1BF5;
	[smem:$0x3FBA] =	sst s0  }
0x18: {  	s0 =	sld [smem:$0x3F9D];
	_ =	swait.ge [sflag:s4], $0x0  }
0x19: {  	s7 =	sld [smem:$0x3F9E]  }
0x1a: {  	s8 =	sadd.s32 $0xFFFFE003, lr  }
0x1b: {  	s9 =	sadd.s32 $0xFFFFFEF7, lr;
	s5 =	simm.s32 $0xFFFFFFFF;
	p2 =	slt.u32 s8, $0xFFFFF086  }
0x1c: {  	p1 =	slt.u32 s9, $0xF7A;
	s5 =	simm.s32 @!p2 $0x0  }
0x1d: {  	s5 =	simm.s32 @p1 $0x1;
	p0 =	seq.s32 s7, s2  }
0x1e: {  	s7 =	smul.u32 @!p0 $0xF7A, s2;
	p2 =	seq.s32 @!p0 s5, $0x0  }
0x1f: {  	s9 =	smul.u32 $0xF7A, s1;
	s8 =	simm.s32 @!p0 $0x1BF5;
	p2 =	por !p2, p0  }
0x20: {  	[sflag:s8] =	ssyncset.s32 @!p0 $0xFFFFF086;
	s6 =	sadd.s32 @!p0 s3, s7;
	s7 =	simm.s32 @!p0 $0x108  }
0x21: {  	s3 =	sadd.s32 s3, s9;
	s6 =	sadd.s32 @!p0 $0x88, s6;
	s7 =	simm.s32 @p2 $0x1082  }
0x22: {  	[simem:s7], [sflag:s8] =	dma.local @!p0 [hbm:s6], $0xF7A  }
0x23: {  	s9 =	sor.u32 $0xD0000000, s2;
	s6 =	simm.s32 $0x108;
	_ =	swait.ge @!p0 [sflag:s8], $0x0  }
0x24: {  	s3 =	sadd.s32 $0x88, s3;
	s6 =	simm.s32 @!p1 $0x1082;
	[sflag:s4] =	ssyncset.s32 $0xFFFFF086  }
0x25: {  	[simem:s6], [sflag:s4] =	dma.local [hbm:s3], $0xF7A  }
0x26: {  	[smem:$0x3F9E] =	sst s1;
	(tag) =	ssettag s2;
	_ =	strace s9  }
0x27: {  	s1 =	sld [smem:$0x3FAE]  }
0x28: {  	s2 =	sld [smem:$0x3FAF]  }
0x29: {  	s4 =	sld [smem:$0x3FB1]  }
0x2a: {  	p0 =	seq.s32 s5, $0x0;
	s5 =	sld [smem:$0x3FB2]  }
0x2b: {  	s6 =	sld [smem:$0x3FB3]  }
0x2c: {  	s7 =	sld [smem:$0x3FB4]  }
0x2d: {  	s3 =	simm.s32 $0x108;
	s8 =	sld [smem:$0x3FB5]  }
0x2e: {  	s3 =	simm.s32 @!p0 $0x1082;
	s9 =	sld [smem:$0x3FB6]  }
0x2f: {  	lr =	sadd.s32 s0, s3;
	s0 =	sld [smem:$0x3FAD]  }
0x30: {  	s3 =	sld [smem:$0x3FB0]  }
0x31: {  	[smem:$0x3FB9] =	sst s10  }
0x32: {  	s10 =	sld [smem:$0x3FB7];
	_ =	sdelay $0x3  }
0x33: {  	p0 =	seq.s32 s10, $0x1;
	s10 =	sld [smem:$0x3FB9];
	_ =	sdelay $0x3  }
0x34: {  	[smem:$0x3FB9] =	sst s10  }
0x35: {  	s10 =	sld [smem:$0x3FB8];
	_ =	sdelay $0x3  }
0x36: {  	p1 =	seq.s32 s10, $0x1;
	s10 =	sld [smem:$0x3FB9];
	_ =	sdelay $0x3  }
0x37: {  	[smem:$0x3FB9] =	sst s10  }
0x38: {  	s10 =	sld [smem:$0x3FBA]  }
0x39: {  	_ = 	snop;
	(pc) =	sbr.ind lr, $3  }
0x3a: {  	_ = 	snop  }
0x3b: {  	_ = 	snop  }
0x3c: {  	p2 =	seq.s32 s10, $0x1;
	s10 =	sld [smem:$0x3FB9]  }
0x3d: {  	_ =	shalt  }
0x3e: {  	_ =	shalt  }
0x3f: {  	_ =	shalt  }
0x40: {  	_ =	shalt  }
0x41: {  	_ =	shalt  }
0x42: {  	_ =	shalt  }
0x43: {  	_ =	shalt  }
0x44: {  	_ =	shalt  }
0x45: {  	_ =	shalt  }
0x46: {  	_ =	shalt  }
0x47: {  	_ =	shalt  }
0x48: {  	_ =	shalt  }
0x49: {  	_ =	shalt  }
0x4a: {  	_ =	shalt  }
0x4b: {  	_ =	shalt  }
0x4c: {  	_ =	shalt  }
0x4d: {  	_ =	shalt  }
0x4e: {  	_ =	shalt  }
0x4f: {  	_ =	shalt  }
0x50: {  	_ =	shalt  }
0x51: {  	_ =	shalt  }
0x52: {  	_ =	shalt  }
0x53: {  	_ =	shalt  }
0x54: {  	_ =	shalt  }
0x55: {  	_ =	shalt  }
0x56: {  	_ =	shalt  }
0x57: {  	_ =	shalt  }
0x58: {  	_ =	shalt  }
0x59: {  	_ =	shalt  }
0x5a: {  	_ =	shalt  }
0x5b: {  	_ =	shalt  }
0x5c: {  	_ =	shalt  }
0x5d: {  	_ =	shalt  }
0x5e: {  	_ =	shalt  }
0x5f: {  	_ =	shalt  }
0x60: {  	_ =	shalt  }
0x61: {  	_ =	shalt  }
0x62: {  	_ =	shalt  }
0x63: {  	_ =	shalt  }
0x64: {  	_ =	shalt  }
0x65: {  	_ =	shalt  }
0x66: {  	_ =	shalt  }
0x67: {  	_ =	shalt  }
0x68: {  	_ =	shalt  }
0x69: {  	_ =	shalt  }
0x6a: {  	_ =	shalt  }
0x6b: {  	_ =	shalt  }
0x6c: {  	_ =	shalt  }
0x6d: {  	_ =	shalt  }
0x6e: {  	_ =	shalt  }
0x6f: {  	_ =	shalt  }
0x70: {  	_ =	shalt  }
0x71: {  	_ =	shalt  }
0x72: {  	_ =	shalt  }
0x73: {  	_ =	shalt  }
0x74: {  	_ =	shalt  }
0x75: {  	_ =	shalt  }
0x76: {  	_ =	shalt  }
0x77: {  	_ =	shalt  }
0x78: {  	_ =	shalt  }
0x79: {  	_ =	shalt  }
0x7a: {  	_ =	shalt  }
0x7b: {  	_ =	shalt  }
0x7c: {  	_ =	shalt  }
0x7d: {  	_ =	shalt  }
0x7e: {  	_ =	shalt  }
0x7f: {  	_ =	shalt  }
0x80: {  	_ =	shalt  }
0x81: {  	_ =	shalt  }
0x82: {  	_ =	shalt  }
0x83: {  	_ =	shalt  }
0x84: {  	_ =	shalt  }
0x85: {  	_ =	shalt  }
0x86: {  	_ =	shalt  }
0x87: {  	_ =	shalt  }
.Lfunc_end0:
.L_simem_size_0:
called_computation_lowered:
.L_overlay_start_0:
0x88: {  	s2 =	sld [smem:$0x3FD9]  }
0x89: {  	s3 =	sld [smem:$0x3FFE];
	_ =	sdelay $0x1  }
0x8a: {  	s1 =	srdreg.scid  }
0x8b: {  	s0 =	sand.u32 $0x1, s1  }
0x8c: {  	s17 =	sshll.u32 s0, $0xA;
	s2 =	sadd.s32 s3, s2  }
0x8d: {  	s2 =	sadd.s32 s2, s17  }
0x8e: {  	[smem:$0x3FC5] =	sst s2  }
0x8f: {  	_ = 	snop  }
0x90: {  	s2 =	sld [smem:$0x3FC9]  }
0x91: {  	s18 =	sld [smem:$0x3FC8]  }
0x92: {  	s4 =	sld [smem:$0x3FD0];
	(tm) =	ssettm $0x1  }
0x93: {  	s5 =	sld [smem:$0x3FFB];
	_ =	sdelay $0x3  }
0x94: {  	_ =	strace s5  }
0x95: {  	s5 =	sld [smem:$0x3FFC];
	_ =	sdelay $0x3  }
0x96: {  	_ =	strace s5  }
0x97: {  	s5 =	sld [smem:$0x3FFD];
	_ =	sdelay $0x3  }
0x98: {  	_ =	strace s5  }
0x99: {  	_ =	strace $0x8FFFFFFF  }
0x9a: {  	s19 =	sld [smem:$0x3FDB];
	_ =	sdelay $0x1  }
0x9b: {  	s6 =	simm.s32 $_scs_section_size  }
0x9c: {  	s7 =	simm.s32 $_size__tile_overlayer_lowered;
	s8 =	simm.s32 $_tile_overlayer_lowered  }
0x9d: {  	s22 =	simm.s32 $0x1BFF;
	s21 =	sshll.u32 s8, $0x1;
	s5 =	sadd.s32 s6, s19  }
0x9e: {  	s9 =	simm.s32 $0x0;
	s20 =	sshll.u32 s7, $0x1;
	s7 =	sadd.s32 s21, s5  }
0x9f: {  	[timem:s9], [sflag:s22] =	dma.local [hbm:s7], s20  }
0xa0: {  	_ =	swait.ge [sflag:s22], s20  }
0xa1: {  	s6 =	ssub.s32 $0x0, s20;
	[sflag:s22] =	ssyncset.done $0x0  }
0xa2: {  	[sflag:s22] =	ssyncadd.s32 s6;
	_ =	sdelay $0x1  }
0xa3: {  	s23 =	simm.s32 $0x1B8B  }
0xa4: {  	_ =	swait.ge [sflag:s23], $0x1  }
0xa5: {  	[sflag:s23] =	ssyncset.done $0x0  }
0xa6: {  	s25 =	simm.s32 $0x1B8E;
	s24 =	sld [smem:$0x3FFE];
	[sflag:s23] =	ssyncadd.s32 $0xFFFFFFFF  }
0xa7: {  	s26 =	simm.s32 $execute0_lowered;
	[smem:$0x3FD2] =	sst s25  }
0xa8: {  	s7 =	sshll.u32 s26, $0x1;
	_ =	strace $0x80000046;
	[dreg:$0x1] =	wrdreg $0xFFFFFFFF  }
0xa9: {  	s28 =	simm.s32 $_size_execute0_lowered;
	s5 =	sadd.s32 s5, s7;
	[dreg:$0x0] =	wrdreg $0x0  }
0xaa: {  	s7 =	sshll.u32 s28, $0x1;
	[dreg:$0x2] =	wrdreg s5  }
0xab: {  	[dreg:$0x3] =	wrdreg s7  }
0xac: {  	[dreg:$0x4] =	wrdreg $0xC0  }
0xad: {  	_ =	task [dreg:s9], $0x5FFFF  }
0xae: {  	[dreg:$0x1] =	wrdreg $0xFFFFFFFF  }
0xaf: {  	[dreg:$0x0] =	wrdreg $0x60  }
0xb0: {  	[dreg:$0x2] =	wrdreg s2  }
0xb1: {  	[dreg:$0x3] =	wrdreg s18  }
0xb2: {  	[dreg:$0x4] =	wrdreg s24  }
0xb3: {  	[dreg:$0x5] =	wrdreg s4  }
0xb4: {  	[dreg:$0x6] =	wrdreg $0x9  }
0xb5: {  	_ =	task.clear_ibuf [dreg:s9], $0x7FFFF;
	_ =	strace $0x90000046  }
0xb6: {  	s29 =	simm.s32 $0x9;
	_ =	strace $0x80000048  }
0xb7: {  	_ =	swait.ge [sflag:s29], $0x1  }
0xb8: {  	[sflag:s29] =	ssyncadd.s32 $0xFFFFFFFF  }
0xb9: {  	_ =	strace $0x90000048  }
0xba: {  	_ =	sfence  }
0xbb: {  	s30 =	sld [smem:$0x0];
	_ =	sdelay $0x2  }
0xbc: {  	s31 =	sshll.u32 s1, $0xD;
	s1 =	sshrl.u32 s1, $0x2  }
0xbd: {  	s3 =	sand.u32 $0x4000, s31;
	s1 =	sadd.s32 s1, s30  }
0xbe: {  	s0 =	sor.u32 s3, s0;
	s1 =	sshll.u32 s1, $0x11  }
0xbf: {  	s0 =	sor.u32 s1, s0  }
0xc0: {  	s0 =	sadd.s32 $0x8F2B, s0  }
0xc1: {  	[sflag:s0] =	ssyncadd.remote.s32 $0x1  }
0xc2: {  	_ =	sfence.sel $0xFFFF  }
0xc3: {  	[dreg:$0x0] =	wrdreg $0xFFFFFFFF;
	(pc) =	sbr.abs _section_cstart, $3  }
0xc4: {  	[dreg:$0x1] =	wrdreg $0xFFFFFFFF  }
0xc5: {  	_ =	task.clear_ibuf [dreg:s9], $0x2FFFF;
	_ =	strace $0x9FFFFFFF  }
0xc6: {  	(tm) =	ssettm $0x7FFFFFFF  }
0xc7: {  	_ =	shalt  }
tec
execute0_lowered:
.L_overlay_start_1:
0x0: {  	(tag) =	ssettag $0x1  }
0x1: {  	s0 =	rddreg [dreg:$0x0]  }
0x2: {  	s1 =	rddreg [dreg:$0x1]  }
0x3: {  	s3 =	rddreg [dreg:$0x2]  }
0x4: {  	s12 =	rddreg [dreg:$0x3]  }
0x5: {  	s2 =	simm.s32 $0x0;
	s4 =	srdreg.scid;
	s6 =	stileid.u32  }
0x6: {  	s15 =	simm.s32 $0x200;
	s16 =	simm.s32 $0x80;
	s17 =	simm.s32 $0x280  }
0x7: {  	s18 =	simm.s32 $0x100;
	s19 =	simm.s32 $0x300;
	s20 =	simm.s32 $0x180  }
0x8: {  	s21 =	simm.s32 $0x380;
	s25 =	simm.s32 $0x5400;
	s28 =	simm.s32 $0x6400  }
0x9: {  	s29 =	simm.s32 $0x3400;
	s30 =	simm.s32 $0x7400;
	s31 =	simm.s32 $0x1  }
0xa: {  	[smem:$0x7FF] =	sst s2;
	s4 =	sand.u32 $0x1, s4;
	s6 =	sshll.u32 s6, $0x7  }
0xb: {  	s3 =	sadd.s32 $0xF42800, s3;
	s5 =	ssub.s32 $0x2, s4;
	s4 =	sshll.u32 s4, $0x6  }
0xc: {  	_ =	strace $0x80000047;
	s7 =	sshrl.u32 s5, $0x1;
	s13 =	sor.u32 s4, s6  }
0xd: {  	s14 =	ssub.s32 s5, s7;
	s4 =	sadd.s32 s0, s13;
	s26 =	sor.u32 $0x10, s13  }
0xe: {  	vm0 =	vmmov $0x1;
	vm1 =	vmmov $0x3;
	vm2 =	vmmov $0x7;
	s5 =	sadd.s32 s1, s13;
	s9 =	sor.u32 $0x20, s13;
	s11 =	sor.u32 $0x30, s13  }
0xf: {  	vm3 =	vmmov $0xf;
	vm4 =	vmmov $0x1f;
	vm5 =	vmmov $0x3f;
	s12 =	sadd.s32 s12, s13;
	s6 =	sadd.s32 s0, s26;
	s7 =	sadd.s32 s1, s26  }
0x10: {  	vm6 =	vmmov $0x7f;
	vm7 =	vmmov $0xff;
	vm8 =	vmmov $0x1ff;
	s8 =	sadd.s32 s0, s9;
	s9 =	sadd.s32 s1, s9;
	s10 =	sadd.s32 s0, s11  }
0x11: {  	vm9 =	vmmov $0x3ff;
	vm10 =	vmmov $0x7ff;
	vm11 =	vmmov $0xfff;
	s11 =	sadd.s32 s1, s11;
	s13 =	smax.u32 s14, $0x1;
	s14 =	simm.s32 $0x2  }
0x12: {  	vm12 =	vmmov $0x1fff;
	vm13 =	vmmov $0x3fff;
	vm14 =	vmmov $0x7fff;
	s26 =	simm.s32 $0x2400;
	s0 =	simm.s32 $0x8400;
	s1 =	simm.s32 $0x0  }
.LBB2_1:
0x13: {  	[tilespmem:s2], [sflag:$0x2] =	stream.linear.gather [hbm4b:s4+s2], $0x80, $0x38;
	[tilespmem:$0x8600] =	vst v63  }
0x14: {  	_ =	swait.ge [sflag:s14], $0x80  }
0x15: {  	[sflag:s14] =	ssyncset.done $0x0  }
0x16: {  	[sflag:s14] =	ssyncadd.s32 $0xFFFFFF80  }
0x17: {  	[tilespmem:s15], [sflag:$0x2] =	stream.linear.gather [hbm4b:s5+s2], $0x80, $0x38;
	[tilespmem:$0x8600] =	vst v63  }
0x18: {  	_ =	swait.ge [sflag:s14], $0x80  }
0x19: {  	[sflag:s14] =	ssyncset.done $0x0  }
0x1a: {  	[sflag:s14] =	ssyncadd.s32 $0xFFFFFF80  }
0x1b: {  	[tilespmem:s16], [sflag:$0x2] =	stream.linear.gather [hbm4b:s6+s2], $0x80, $0x38;
	[tilespmem:$0x8600] =	vst v63  }
0x1c: {  	_ =	swait.ge [sflag:s14], $0x80  }
0x1d: {  	[sflag:s14] =	ssyncset.done $0x0  }
0x1e: {  	[sflag:s14] =	ssyncadd.s32 $0xFFFFFF80  }
0x1f: {  	[tilespmem:s17], [sflag:$0x2] =	stream.linear.gather [hbm4b:s7+s2], $0x80, $0x38;
	[tilespmem:$0x8600] =	vst v63  }
0x20: {  	_ =	swait.ge [sflag:s14], $0x80  }
0x21: {  	[sflag:s14] =	ssyncset.done $0x0  }
0x22: {  	[sflag:s14] =	ssyncadd.s32 $0xFFFFFF80  }
0x23: {  	[tilespmem:s18], [sflag:$0x2] =	stream.linear.gather [hbm4b:s8+s2], $0x80, $0x38;
	[tilespmem:$0x8600] =	vst v63  }
0x24: {  	_ =	swait.ge [sflag:s14], $0x80  }
0x25: {  	[sflag:s14] =	ssyncset.done $0x0  }
0x26: {  	[sflag:s14] =	ssyncadd.s32 $0xFFFFFF80  }
0x27: {  	[tilespmem:s19], [sflag:$0x2] =	stream.linear.gather [hbm4b:s9+s2], $0x80, $0x38;
	[tilespmem:$0x8600] =	vst v63  }
0x28: {  	_ =	swait.ge [sflag:s14], $0x80  }
0x29: {  	[sflag:s14] =	ssyncset.done $0x0  }
0x2a: {  	[sflag:s14] =	ssyncadd.s32 $0xFFFFFF80  }
0x2b: {  	[tilespmem:s20], [sflag:$0x2] =	stream.linear.gather [hbm4b:s10+s2], $0x80, $0x38;
	[tilespmem:$0x8600] =	vst v63  }
0x2c: {  	_ =	swait.ge [sflag:s14], $0x80  }
0x2d: {  	[sflag:s14] =	ssyncset.done $0x0  }
0x2e: {  	[sflag:s14] =	ssyncadd.s32 $0xFFFFFF80  }
0x2f: {  	[tilespmem:s21], [sflag:$0x2] =	stream.linear.gather [hbm4b:s11+s2], $0x80, $0x38;
	[tilespmem:$0x8600] =	vst v63  }
0x30: {  	_ =	swait.ge [sflag:s14], $0x80  }
0x31: {  	[sflag:s14] =	ssyncset.done $0x0  }
0x32: {  	s22 =	simm.s32 $0x400;
	[sflag:s14] =	ssyncadd.s32 $0xFFFFFF80  }
0x33: {  	[tilespmem:s22], [sflag:$0x1] =	stream.indirect.gather [hbm4b:s3+s16], $0x20, s2, s16, $0xb8;
	[tilespmem:$0x8600] =	vst v63  }
0x34: {  	s24 =	simm.s32 $0x4400  }
0x35: {  	[tilespmem:s24], [sflag:$0x1] =	stream.indirect.gather [hbm4b:s3+s16], $0x20, s15, s16, $0xb8;
	[tilespmem:$0x8600] =	vst v63  }
0x36: {  	s23 =	simm.s32 $0x1400  }
0x37: {  	[tilespmem:s23], [sflag:$0x1] =	stream.indirect.gather [hbm4b:s3+s16], $0x20, s16, s16, $0xb8;
	[tilespmem:$0x8600] =	vst v63  }
0x38: {  	_ = 	snop  }
0x39: {  	[tilespmem:s25], [sflag:$0x1] =	stream.indirect.gather [hbm4b:s3+s16], $0x20, s17, s16, $0xb8;
	[tilespmem:$0x8600] =	vst v63  }
0x3a: {  	_ = 	snop  }
0x3b: {  	[tilespmem:s26], [sflag:$0x1] =	stream.indirect.gather [hbm4b:s3+s16], $0x20, s18, s16, $0xb8;
	[tilespmem:$0x8600] =	vst v63  }
0x3c: {  	_ = 	snop  }
0x3d: {  	[tilespmem:s28], [sflag:$0x1] =	stream.indirect.gather [hbm4b:s3+s16], $0x20, s19, s16, $0xb8;
	[tilespmem:$0x8600] =	vst v63  }
0x3e: {  	_ = 	snop  }
0x3f: {  	[tilespmem:s29], [sflag:$0x1] =	stream.indirect.gather [hbm4b:s3+s16], $0x20, s20, s16, $0xb8;
	[tilespmem:$0x8600] =	vst v63  }
0x40: {  	_ = 	snop  }
0x41: {  	[tilespmem:s30], [sflag:$0x1] =	stream.indirect.gather [hbm4b:s3+s16], $0x20, s21, s16, $0xb8;
	[tilespmem:$0x8600] =	vst v63  }
0x42: {  	_ =	swait.ge [sflag:s31], $0x1000  }
0x43: {  	[sflag:s31] =	ssyncset.done $0x0  }
0x44: {  	[sflag:s31] =	ssyncadd.s32 $0xFFFFF000  }
0x45: {  	_ =	swait.ge [sflag:s31], $0x1000  }
0x46: {  	[sflag:s31] =	ssyncset.done $0x0  }
0x47: {  	[sflag:s31] =	ssyncadd.s32 $0xFFFFF000  }
0x48: {  	_ =	swait.ge [sflag:s31], $0x1000  }
0x49: {  	[sflag:s31] =	ssyncset.done $0x0  }
0x4a: {  	[sflag:s31] =	ssyncadd.s32 $0xFFFFF000  }
0x4b: {  	_ =	swait.ge [sflag:s31], $0x1000  }
0x4c: {  	[sflag:s31] =	ssyncset.done $0x0  }
0x4d: {  	[sflag:s31] =	ssyncadd.s32 $0xFFFFF000  }
0x4e: {  	_ =	swait.ge [sflag:s31], $0x1000  }
0x4f: {  	[sflag:s31] =	ssyncset.done $0x0  }
0x50: {  	[sflag:s31] =	ssyncadd.s32 $0xFFFFF000  }
0x51: {  	_ =	swait.ge [sflag:s31], $0x1000  }
0x52: {  	[sflag:s31] =	ssyncset.done $0x0  }
0x53: {  	[sflag:s31] =	ssyncadd.s32 $0xFFFFF000  }
0x54: {  	_ =	swait.ge [sflag:s31], $0x1000  }
0x55: {  	[sflag:s31] =	ssyncset.done $0x0  }
0x56: {  	[sflag:s31] =	ssyncadd.s32 $0xFFFFF000  }
0x57: {  	_ =	swait.ge [sflag:s31], $0x1000  }
0x58: {  	[sflag:s31] =	ssyncset.done $0x0  }
0x59: {  	s24 =	simm.s32 $0x0;
	[sflag:s31] =	ssyncadd.s32 $0xFFFFF000  }
0x5a: {  	v0 =	vld [tilespmem:s24+$0x5C0]  }
0x5b: {  	v1 =	vld [tilespmem:s24+$0x45C0]  }
0x5c: {  	v2 =	vld [tilespmem:s24+$0x5D0]  }
0x5d: {  	v3 =	vld [tilespmem:s24+$0x45D0]  }
0x5e: {  	v4 =	vld [tilespmem:s24+$0x5A0]  }
0x5f: {  	v5 =	vld [tilespmem:s24+$0x580]  }
0x60: {  	v6 =	vld [tilespmem:s24+$0x4580]  }
0x61: {  	v7 =	vld [tilespmem:s24+$0x590]  }
0x62: {  	v8 =	vld [tilespmem:s24+$0x4590]  }
0x63: {  	v9 =	vld [tilespmem:s24+$0x560]  }
0x64: {  	v10 =	vld [tilespmem:s24+$0x4560]  }
0x65: {  	v11 =	vld [tilespmem:s24+$0x570]  }
0x66: {  	v12 =	vld [tilespmem:s24+$0x4570]  }
0x67: {  	v13 =	vld [tilespmem:s24+$0x540]  }
0x68: {  	v14 =	vld [tilespmem:s24+$0x520]  }
0x69: {  	v15 =	vld [tilespmem:s24+$0x4520]  }
0x6a: {  	v16 =	vld [tilespmem:s24+$0x530]  }
0x6b: {  	v17 =	vld [tilespmem:s24+$0x4530]  }
0x6c: {  	v18 =	vld [tilespmem:s24+$0x500]  }
0x6d: {  	v19 =	vld [tilespmem:s24+$0x4500]  }
0x6e: {  	v20 =	vld [tilespmem:s24+$0x510]  }
0x6f: {  	v21 =	vld [tilespmem:s24+$0x4510]  }
0x70: {  	v22 =	vld [tilespmem:s24+$0x4E0]  }
0x71: {  	v23 =	vld [tilespmem:s24+$0x4C0]  }
0x72: {  	v24 =	vld [tilespmem:s24+$0x44C0]  }
0x73: {  	v25 =	vld [tilespmem:s24+$0x4D0]  }
0x74: {  	v26 =	vld [tilespmem:s24+$0x44D0]  }
0x75: {  	v27 =	vld [tilespmem:s24+$0x4A0]  }
0x76: {  	v28 =	vld [tilespmem:s24+$0x44A0]  }
0x77: {  	v29 =	vld [tilespmem:s24+$0x4B0]  }
0x78: {  	v30 =	vld [tilespmem:s24+$0x44B0]  }
0x79: {  	v31 =	vld [tilespmem:s24+$0x480]  }
0x7a: {  	v32 =	vld [tilespmem:s24+$0x460]  }
0x7b: {  	v33 =	vld [tilespmem:s24+$0x4460]  }
0x7c: {  	v34 =	vld [tilespmem:s24+$0x470]  }
0x7d: {  	v35 =	vld [tilespmem:s24+$0x4470]  }
0x7e: {  	v36 =	vld [tilespmem:s24+$0x440]  }
0x7f: {  	v37 =	vld [tilespmem:s24+$0x4440]  }
0x80: {  	v38 =	vld [tilespmem:s24+$0x450]  }
0x81: {  	v39 =	vld [tilespmem:s24+$0x4450]  }
0x82: {  	v40 =	vld [tilespmem:s24+$0x4400]  }
0x83: {  	v41 =	vld [tilespmem:s24+$0x400]  }
0x84: {  	v0 =	vmul.f32 v1, v0;
	v1 =	vmul.f32 v3, v2;
	v2 =	vld [tilespmem:s24+$0x410]  }
0x85: {  	v3 =	vmul.f32 v6, v5;
	v5 =	vmul.f32 v8, v7;
	v6 =	vld [tilespmem:s24+$0x4410]  }
0x86: {  	v7 =	vmul.f32 v12, v11;
	v8 =	vld [tilespmem:s24+$0x420];
	v0 =	vadd.f32 v1, v0;
	v1 =	vmul.f32 v10, v9  }
0x87: {  	v11 =	vld [tilespmem:s24+$0x430];
	v3 =	vadd.f32 v5, v3;
	v5 =	vmul.f32 v15, v14;
	v9 =	vmul.f32 v17, v16  }
0x88: {  	v12 =	vld [tilespmem:s24+$0x4430];
	(xrf2) =	vadd.scan.msk.f32 $0xffff, v0;
	v0 =	vadd.f32 v7, v1;
	v1 =	vmul.f32 v19, v18;
	v7 =	vmul.f32 v21, v20  }
0x89: {  	v10 =	vld [tilespmem:s24+$0x4420];
	(xrf2) =	vadd.scan.msk.f32 $0xffff, v3;
	v3 =	vadd.f32 v9, v5;
	v5 =	vmul.f32 v24, v23;
	v9 =	vmul.f32 v26, v25  }
0x8a: {  	v14 =	vld [tilespmem:s24+$0x4480];
	(xrf2) =	vadd.scan.msk.f32 $0xffff, v0;
	v0 =	vadd.f32 v7, v1;
	v1 =	vmul.f32 v28, v27;
	v7 =	vmul.f32 v30, v29  }
0x8b: {  	v15 =	vld [tilespmem:s24+$0x490];
	(xrf2) =	vadd.scan.msk.f32 $0xffff, v3;
	v3 =	vadd.f32 v9, v5;
	v5 =	vmul.f32 v33, v32;
	v9 =	vmul.f32 v35, v34  }
0x8c: {  	v16 =	vld [tilespmem:s24+$0x4490];
	(xrf2) =	vadd.scan.msk.f32 $0xffff, v0;
	v0 =	vadd.f32 v7, v1;
	v1 =	vmul.f32 v37, v36;
	v7 =	vmul.f32 v39, v38  }
0x8d: {  	v2 =	vmul.f32 v6, v2;
	v6 =	vld [tilespmem:s24+$0x44E0];
	(xrf2) =	vadd.scan.msk.f32 $0xffff, v3;
	v3 =	vadd.f32 v9, v5  }
0x8e: {  	v5 =	vmul.f32 v40, v41;
	(xrf2) =	vadd.scan.msk.f32 $0xffff, v0;
	v0 =	vadd.f32 v7, v1;
	v1 =	vmul.f32 v10, v8;
	v8 =	vld [tilespmem:s24+$0x4F0]  }
0x8f: {  	v7 =	vmul.f32 v12, v11;
	v10 =	vld [tilespmem:s24+$0x4550]  }
0x90: {  	(xrf2) =	vadd.scan.msk.f32 $0xffff, v3;
	v2 =	vadd.f32 v2, v5;
	v3 =	vld [tilespmem:s24+$0x44F0]  }
0x91: {  	(xrf2) =	vadd.scan.msk.f32 $0xffff, v0;
	v0 =	vadd.f32 v7, v1;
	v1 =	vld [tilespmem:s24+$0x4540]  }
0x92: {  	v5 =	vmul.f32 v16, v15;
	v7 =	vld [tilespmem:s24+$0x550];
	(xrf2) =	vadd.scan.msk.f32 $0xffff, v2;
	v2 =	vmul.f32 v14, v31  }
0x93: {  	v14 =	vld [tilespmem:s24+$0x45B0]  }
0x94: {  	v9, _, _ =	vpop (xrf2);
	(xrf2) =	vadd.scan.msk.f32 $0xffff, v0;
	v2 =	vadd.f32 v5, v2;
	v5 =	vld [tilespmem:s24+$0x45A0]  }
0x95: {  	v6 =	vmul.f32 v6, v22;
	v0, _, _ =	vpop (xrf2);
	v3 =	vmul.f32 v3, v8;
	v8 =	vld [tilespmem:s24+$0x5B0]  }
0x96: {  	v11, _, _ =	vpop (xrf2)  }
0x97: {  	v12, _, _ =	vpop (xrf2);
	v3 =	vadd.f32 v3, v6  }
0x98: {  	(xrf2) =	vadd.scan.msk.f32 $0xffff, v2;
	v2, _, _ =	vpop (xrf2)  }
0x99: {  	v1 =	vmul.f32 v1, v13;
	v7 =	vmul.f32 v10, v7;
	v15, _, _ =	vpop (xrf2)  }
0x9a: {  	v4 =	vmul.f32 v5, v4;
	v13, _, _ =	vpop (xrf2);
	v5 =	vmul.f32 v14, v8  }
0x9b: {  	v10 =	vld [tilespmem:s24+$0x45E0];
	(xrf2) =	vadd.scan.msk.f32 $0xffff, v3;
	v3, _, _ =	vpop (xrf2)  }
0x9c: {  	v6 =	vld [tilespmem:s24+$0x5E0];
	v1 =	vadd.f32 v7, v1;
	v17, _, _ =	vpop (xrf2)  }
0x9d: {  	v16 =	vld [tilespmem:s24+$0x5F0];
	v8, _, _ =	vpop (xrf2)  }
0x9e: {  	v7 =	vld [tilespmem:s24+$0x45F0];
	(xrf2) =	vadd.scan.msk.f32 $0xffff, v1;
	v1 =	vadd.f32 v5, v4;
	v5, _, _ =	vpop (xrf2)  }
0x9f: {  	v5 =	vbroadcast v5, $0xF;
	_ =	sdelay $0x1  }
0xa0: {  	v4 =	vmul.f32 v10, v6;
	v6 =	vbroadcast v8, $0xF  }
0xa1: {  	v8 =	vbroadcast v17, $0xF  }
0xa2: {  	v3 =	vbroadcast v3, $0xF;
	v7 =	vmul.f32 v7, v16;
	(xrf2) =	vadd.scan.msk.f32 $0xffff, v1;
	v1 =	vsel vm0, v6, v5;
	v5, _, _ =	vpop (xrf2)  }
0xa3: {  	v1 =	vsel vm1, v1, v8;
	v5 =	vbroadcast v5, $0xF  }
0xa4: {  	v4 =	vadd.f32 v7, v4;
	v1 =	vsel vm2, v1, v3;
	v3 =	vbroadcast v13, $0xF  }
0xa5: {  	v6, _, _ =	vpop (xrf2);
	v1 =	vsel vm3, v1, v5;
	v5 =	vbroadcast v15, $0xF  }
0xa6: {  	v1 =	vsel vm4, v1, v3;
	v3 =	vbroadcast v6, $0xF  }
0xa7: {  	v2 =	vbroadcast v2, $0xF;
	(xrf2) =	vadd.scan.msk.f32 $0xffff, v4;
	v1 =	vsel vm5, v1, v5  }
0xa8: {  	v4, _, _ =	vpop (xrf2);
	v1 =	vsel vm6, v1, v3;
	v3 =	vbroadcast v12, $0xF  }
0xa9: {  	v1 =	vsel vm7, v1, v2;
	v2 =	vbroadcast v4, $0xF  }
0xaa: {  	v1 =	vsel vm8, v1, v3;
	v3 =	vbroadcast v11, $0xF  }
0xab: {  	v0 =	vbroadcast v0, $0xF;
	v1 =	vsel vm9, v1, v2  }
0xac: {  	v1 =	vsel vm10, v1, v3  }
0xad: {  	v2, _, _ =	vpop (xrf2);
	v0 =	vsel vm11, v1, v0;
	v1 =	vbroadcast v9, $0xF  }
0xae: {  	v2 =	vbroadcast v2, $0xF;
	_ =	sdelay $0x1  }
0xaf: {  	v0 =	vsel vm12, v0, v2  }
0xb0: {  	v0 =	vsel vm13, v0, v1;
	v1, _, _ =	vpop (xrf2)  }
0xb1: {  	v0 =	vsel vm14, v0, v1  }
0xb2: {  	s23 =	simm.s32 $0x200;
	[tilespmem:s0+$0x0] =	vst v0  }
0xb3: {  	v2 =	vld [tilespmem:s23+$0x5C0]  }
0xb4: {  	v3 =	vld [tilespmem:s23+$0x45C0]  }
0xb5: {  	v5 =	vld [tilespmem:s23+$0x5D0]  }
0xb6: {  	v6 =	vld [tilespmem:s23+$0x45D0]  }
0xb7: {  	v0 =	vld [tilespmem:s23+$0x5A0]  }
0xb8: {  	v7 =	vld [tilespmem:s23+$0x580]  }
0xb9: {  	v8 =	vld [tilespmem:s23+$0x4580]  }
0xba: {  	v9 =	vld [tilespmem:s23+$0x590]  }
0xbb: {  	v10 =	vld [tilespmem:s23+$0x4590]  }
0xbc: {  	v11 =	vld [tilespmem:s23+$0x560]  }
0xbd: {  	v12 =	vld [tilespmem:s23+$0x4560]  }
0xbe: {  	v13 =	vld [tilespmem:s23+$0x570]  }
0xbf: {  	v14 =	vld [tilespmem:s23+$0x4570]  }
0xc0: {  	v1 =	vld [tilespmem:s23+$0x540]  }
0xc1: {  	v15 =	vld [tilespmem:s23+$0x520]  }
0xc2: {  	v16 =	vld [tilespmem:s23+$0x4520]  }
0xc3: {  	v17 =	vld [tilespmem:s23+$0x530]  }
0xc4: {  	v18 =	vld [tilespmem:s23+$0x4530]  }
0xc5: {  	v19 =	vld [tilespmem:s23+$0x500]  }
0xc6: {  	v54 =	vld [tilespmem:s23+$0x4500]  }
0xc7: {  	v55 =	vld [tilespmem:s23+$0x510]  }
0xc8: {  	v56 =	vld [tilespmem:s23+$0x4510]  }
0xc9: {  	v4 =	vld [tilespmem:s23+$0x4E0]  }
0xca: {  	v57 =	vld [tilespmem:s23+$0x4C0]  }
0xcb: {  	v58 =	vld [tilespmem:s23+$0x44C0]  }
0xcc: {  	v59 =	vld [tilespmem:s23+$0x4D0]  }
0xcd: {  	v60 =	vld [tilespmem:s23+$0x44D0];
	v2 =	vmul.f32 v3, v2;
	v3 =	vmul.f32 v6, v5  }
0xce: {  	v61 =	vld [tilespmem:s23+$0x4A0];
	v6 =	vmul.f32 v8, v7;
	v8 =	vmul.f32 v10, v9  }
0xcf: {  	v62 =	vld [tilespmem:s23+$0x44A0];
	v2 =	vadd.f32 v3, v2  }
0xd0: {  	v63 =	vld [tilespmem:s23+$0x4450];
	v9 =	vmul.f32 v14, v13;
	v3 =	vmul.f32 v12, v11;
	v6 =	vadd.f32 v8, v6  }
0xd1: {  	v5 =	vld [tilespmem:s23+$0x4B0];
	v8 =	vmul.f32 v16, v15;
	v11 =	vmul.f32 v18, v17;
	(xrf2) =	vadd.scan.msk.f32 $0xffff, v2  }
0xd2: {  	v10 =	vld [tilespmem:s23+$0x44B0];
	v2 =	vadd.f32 v9, v3;
	(xrf2) =	vadd.scan.msk.f32 $0xffff, v6  }
0xd3: {  	v7 =	vld [tilespmem:s23+$0x480];
	v3 =	vadd.f32 v11, v8  }
0xd4: {  	v13 =	vld [tilespmem:s23+$0x460];
	(xrf2) =	vadd.scan.msk.f32 $0xffff, v2  }
0xd5: {  	v14 =	vld [tilespmem:s23+$0x4460];
	v2 =	vmul.f32 v54, v19;
	(xrf2) =	vadd.scan.msk.f32 $0xffff, v3;
	v3 =	vmul.f32 v56, v55  }
0xd6: {  	v16 =	vld [tilespmem:s23+$0x440]  }
0xd7: {  	v11 =	vld [tilespmem:s23+$0x4470];
	v3 =	vadd.f32 v3, v2  }
0xd8: {  	v12 =	vmul.f32 v58, v57;
	v15 =	vmul.f32 v60, v59;
	v6 =	vld [tilespmem:s23+$0x470]  }
0xd9: {  	v17 =	vld [tilespmem:s23+$0x4440];
	(xrf2) =	vadd.scan.msk.f32 $0xffff, v3  }
0xda: {  	v18 =	vld [tilespmem:s23+$0x450];
	v15 =	vadd.f32 v15, v12  }
0xdb: {  	v8 =	vld [tilespmem:s23+$0x4400];
	v5 =	vmul.f32 v10, v5;
	v19 =	vmul.f32 v62, v61;
	v2, _, _ =	vpop (xrf2)  }
0xdc: {  	v9 =	vld [tilespmem:s23+$0x400];
	v3, _, _ =	vpop (xrf2);
	(xrf2) =	vadd.scan.msk.f32 $0xffff, v15  }
0xdd: {  	v12 =	vld [tilespmem:s23+$0x4410];
	v19 =	vadd.f32 v5, v19;
	v6 =	vmul.f32 v11, v6  }
0xde: {  	v10 =	vld [tilespmem:s23+$0x410];
	v14 =	vmul.f32 v14, v13  }
0xdf: {  	v13 =	vld [tilespmem:s23+$0x4420];
	(xrf2) =	vadd.scan.msk.f32 $0xffff, v19  }
0xe0: {  	v11 =	vld [tilespmem:s23+$0x420];
	v15 =	vadd.f32 v6, v14;
	v5, _, _ =	vpop (xrf2)  }
0xe1: {  	s22 =	simm.s32 $0x8400;
	s24 =	simm.s32 $0x1000;
	v16 =	vmul.f32 v17, v16;
	v17 =	vmul.f32 v63, v18;
	v14 =	vld [tilespmem:s23+$0x430];
	v6, _, _ =	vpop (xrf2)  }
.LBB2_2:
0xe2: {  	p0 =	sne.s32 s24, $0xF800;
	v18 =	vld [tilespmem:s23+$0x4430];
	(xrf2) =	vadd.scan.msk.f32 $0xffff, v15  }
0xe3: {  	v19 =	vadd.f32 v17, v16;
	v16 =	vld [tilespmem:s23+$0x4480];
	v17, _, _ =	vpop (xrf2)  }
0xe4: {  	v8 =	vmul.f32 v8, v9;
	v9 =	vmul.f32 v12, v10;
	v10 =	vld [tilespmem:s23+$0x490]  }
0xe5: {  	v12 =	vld [tilespmem:s23+$0x4490];
	(xrf2) =	vadd.scan.msk.f32 $0xffff, v19  }
0xe6: {  	v8 =	vadd.f32 v9, v8;
	v9 =	vld [tilespmem:s23+$0x44E0];
	v15, _, _ =	vpop (xrf2)  }
0xe7: {  	v11 =	vmul.f32 v13, v11;
	v19 =	vmul.f32 v18, v14;
	v14 =	vld [tilespmem:s23+$0x4F0]  }
0xe8: {  	v18 =	vld [tilespmem:s23+$0x44F0];
	(xrf2) =	vadd.scan.msk.f32 $0xffff, v8  }
0xe9: {  	v8 =	vadd.f32 v19, v11;
	v11 =	vld [tilespmem:s23+$0x4540];
	v13, _, _ =	vpop (xrf2)  }
0xea: {  	v7 =	vmul.f32 v16, v7;
	v19 =	vmul.f32 v12, v10;
	v12 =	vld [tilespmem:s23+$0x550]  }
0xeb: {  	v16 =	vld [tilespmem:s23+$0x4550];
	(xrf2) =	vadd.scan.msk.f32 $0xffff, v8  }
0xec: {  	v7 =	vadd.f32 v19, v7;
	v8 =	vld [tilespmem:s23+$0x45A0];
	v10, _, _ =	vpop (xrf2)  }
0xed: {  	v4 =	vmul.f32 v9, v4;
	v19 =	vmul.f32 v18, v14;
	v14 =	vld [tilespmem:s23+$0x5B0]  }
0xee: {  	v18 =	vld [tilespmem:s23+$0x45B0];
	(xrf2) =	vadd.scan.msk.f32 $0xffff, v7  }
0xef: {  	v4 =	vadd.f32 v19, v4;
	v7 =	vld [tilespmem:s23+$0x5E0];
	v9, _, _ =	vpop (xrf2)  }
0xf0: {  	v1 =	vmul.f32 v11, v1;
	v19 =	vmul.f32 v16, v12;
	v12 =	vld [tilespmem:s23+$0x45E0]  }
0xf1: {  	v16 =	vld [tilespmem:s23+$0x5F0];
	(xrf2) =	vadd.scan.msk.f32 $0xffff, v4  }
0xf2: {  	v1 =	vadd.f32 v19, v1;
	v4 =	vld [tilespmem:s23+$0x45F0];
	v11, _, _ =	vpop (xrf2)  }
0xf3: {  	v0 =	vmul.f32 v8, v0;
	v8 =	vmul.f32 v18, v14  }
0xf4: {  	(xrf2) =	vadd.scan.msk.f32 $0xffff, v1  }
0xf5: {  	v0 =	vadd.f32 v8, v0;
	v1 =	vmul.f32 v12, v7;
	v7, _, _ =	vpop (xrf2)  }
0xf6: {  	v11 =	vbroadcast v11, $0xF;
	v7 =	vbroadcast v7, $0xF  }
0xf7: {  	v9 =	vbroadcast v9, $0xF;
	v4 =	vmul.f32 v4, v16;
	(xrf2) =	vadd.scan.msk.f32 $0xffff, v0  }
0xf8: {  	v0 =	vsel vm0, v11, v7;
	v7 =	vbroadcast v10, $0xF;
	v8, _, _ =	vpop (xrf2)  }
0xf9: {  	v0 =	vsel vm1, v0, v9;
	v9 =	vbroadcast v8, $0xF;
	v1 =	vadd.f32 v4, v1  }
0xfa: {  	v4 =	vbroadcast v13, $0xF;
	v0 =	vsel vm2, v0, v7  }
0xfb: {  	v7 =	vbroadcast v15, $0xF;
	v0 =	vsel vm3, v0, v9;
	v8, _, _ =	vpop (xrf2);
	(xrf2) =	vadd.scan.msk.f32 $0xffff, v1  }
0xfc: {  	v0 =	vsel vm4, v0, v4;
	v1 =	vbroadcast v8, $0xF  }
0xfd: {  	v4 =	vbroadcast v17, $0xF;
	v0 =	vsel vm5, v0, v7  }
0xfe: {  	v0 =	vsel vm6, v0, v1;
	v1 =	vbroadcast v6, $0xF;
	v6, _, _ =	vpop (xrf2)  }
0xff: {  	v0 =	vsel vm7, v0, v4;
	v6 =	vbroadcast v6, $0xF  }
0x100: {  	v0 =	vsel vm8, v0, v1;
	v1 =	vbroadcast v5, $0xF  }
0x101: {  	v3 =	vbroadcast v3, $0xF;
	v0 =	vsel vm9, v0, v6;
	v4, _, _ =	vpop (xrf2)  }
0x102: {  	v0 =	vsel vm10, v0, v1;
	v4 =	vbroadcast v4, $0xF  }
0x103: {  	v2 =	vbroadcast v2, $0xF;
	v0 =	vsel vm11, v0, v3  }
0x104: {  	v0 =	vsel vm12, v0, v4  }
0x105: {  	v0 =	vsel vm13, v0, v2;
	v1, _, _ =	vpop (xrf2)  }
0x106: {  	s22 =	sadd.s32 $0x10, s22;
	v0 =	vsel vm14, v0, v1  }
0x107: {  	s23 =	sshra.s32 s24, $0x2;
	[tilespmem:s22+$0x0] =	vst v0  }
0x108: {  	v2 =	vld [tilespmem:s23+$0x5C0]  }
0x109: {  	v3 =	vld [tilespmem:s23+$0x45C0]  }
0x10a: {  	v5 =	vld [tilespmem:s23+$0x5D0]  }
0x10b: {  	v6 =	vld [tilespmem:s23+$0x45D0]  }
0x10c: {  	v0 =	vld [tilespmem:s23+$0x5A0]  }
0x10d: {  	v7 =	vld [tilespmem:s23+$0x580]  }
0x10e: {  	v8 =	vld [tilespmem:s23+$0x4580]  }
0x10f: {  	v9 =	vld [tilespmem:s23+$0x590]  }
0x110: {  	v10 =	vld [tilespmem:s23+$0x4590]  }
0x111: {  	v11 =	vld [tilespmem:s23+$0x560]  }
0x112: {  	v12 =	vld [tilespmem:s23+$0x4560]  }
0x113: {  	v13 =	vld [tilespmem:s23+$0x570]  }
0x114: {  	v14 =	vld [tilespmem:s23+$0x4570]  }
0x115: {  	v1 =	vld [tilespmem:s23+$0x540]  }
0x116: {  	v15 =	vld [tilespmem:s23+$0x520]  }
0x117: {  	v16 =	vld [tilespmem:s23+$0x4520]  }
0x118: {  	v17 =	vld [tilespmem:s23+$0x530]  }
0x119: {  	v18 =	vld [tilespmem:s23+$0x4530]  }
0x11a: {  	v19 =	vld [tilespmem:s23+$0x500]  }
0x11b: {  	v20 =	vld [tilespmem:s23+$0x4500]  }
0x11c: {  	v21 =	vld [tilespmem:s23+$0x510]  }
0x11d: {  	v22 =	vld [tilespmem:s23+$0x4510]  }
0x11e: {  	v2 =	vmul.f32 v3, v2;
	v3 =	vmul.f32 v6, v5;
	v4 =	vld [tilespmem:s23+$0x4E0]  }
0x11f: {  	v5 =	vld [tilespmem:s23+$0x4C0]  }
0x120: {  	v2 =	vadd.f32 v3, v2;
	v6 =	vld [tilespmem:s23+$0x44C0]  }
0x121: {  	v7 =	vmul.f32 v8, v7;
	v8 =	vmul.f32 v10, v9;
	v3 =	vld [tilespmem:s23+$0x4D0]  }
0x122: {  	v9 =	vld [tilespmem:s23+$0x44D0];
	(xrf2) =	vadd.scan.msk.f32 $0xffff, v2  }
0x123: {  	v2 =	vadd.f32 v8, v7;
	v10 =	vld [tilespmem:s23+$0x4A0]  }
0x124: {  	v7 =	vmul.f32 v12, v11;
	v8 =	vmul.f32 v14, v13;
	v23 =	vld [tilespmem:s23+$0x44A0]  }
0x125: {  	v11 =	vld [tilespmem:s23+$0x4B0];
	(xrf2) =	vadd.scan.msk.f32 $0xffff, v2  }
0x126: {  	v2 =	vadd.f32 v8, v7;
	v12 =	vld [tilespmem:s23+$0x44B0]  }
0x127: {  	v13 =	vmul.f32 v18, v17;
	v8 =	vmul.f32 v16, v15;
	v7 =	vld [tilespmem:s23+$0x480]  }
0x128: {  	v14 =	vld [tilespmem:s23+$0x460];
	(xrf2) =	vadd.scan.msk.f32 $0xffff, v2  }
0x129: {  	v24 =	vadd.f32 v13, v8;
	v15 =	vld [tilespmem:s23+$0x4460]  }
0x12a: {  	v16 =	vmul.f32 v22, v21;
	v8 =	vmul.f32 v20, v19;
	v13 =	vld [tilespmem:s23+$0x470]  }
0x12b: {  	v17 =	vld [tilespmem:s23+$0x4470];
	(xrf2) =	vadd.scan.msk.f32 $0xffff, v24  }
0x12c: {  	v8 =	vadd.f32 v16, v8;
	v18 =	vld [tilespmem:s23+$0x440];
	v2, _, _ =	vpop (xrf2)  }
0x12d: {  	v5 =	vmul.f32 v6, v5;
	v6 =	vmul.f32 v9, v3;
	v16 =	vld [tilespmem:s23+$0x4440]  }
0x12e: {  	v19 =	vld [tilespmem:s23+$0x450];
	(xrf2) =	vadd.scan.msk.f32 $0xffff, v8  }
0x12f: {  	v21 =	vadd.f32 v6, v5;
	v20 =	vld [tilespmem:s23+$0x4450];
	v3, _, _ =	vpop (xrf2)  }
0x130: {  	v6 =	vmul.f32 v23, v10;
	v11 =	vmul.f32 v12, v11;
	v8 =	vld [tilespmem:s23+$0x4400]  }
0x131: {  	v9 =	vld [tilespmem:s23+$0x400];
	(xrf2) =	vadd.scan.msk.f32 $0xffff, v21  }
.Ltmp0:
0x132: {  	v21 =	vadd.f32 v11, v6;
	v10 =	vld [tilespmem:s23+$0x410];
	v5, _, _ =	vpop (xrf2);
	(pc) =	sbr.rel @p0 .LBB2_2-.Ltmp0, $4  }
0x133: {  	v14 =	vmul.f32 v15, v14;
	v15 =	vmul.f32 v17, v13;
	v12 =	vld [tilespmem:s23+$0x4410]  }
0x134: {  	v11 =	vld [tilespmem:s23+$0x420];
	(xrf2) =	vadd.scan.msk.f32 $0xffff, v21  }
0x135: {  	v15 =	vadd.f32 v15, v14;
	v13 =	vld [tilespmem:s23+$0x4420];
	v6, _, _ =	vpop (xrf2)  }
0x136: {  	s24 =	sadd.s32 $0x800, s24;
	v16 =	vmul.f32 v16, v18;
	v17 =	vmul.f32 v20, v19;
	v14 =	vld [tilespmem:s23+$0x430]  }
0x137: {  	v18 =	vld [tilespmem:s23+$0x4430]  }
0x138: {  	v19 =	vld [tilespmem:s23+$0x4480]  }
0x139: {  	v20 =	vld [tilespmem:s23+$0x490]  }
0x13a: {  	v21 =	vld [tilespmem:s23+$0x4490]  }
0x13b: {  	v8 =	vmul.f32 v8, v9;
	v63 =	vld [tilespmem:s23+$0x44E0];
	v62 =	vmul.f32 v12, v10  }
0x13c: {  	v24 =	vld [tilespmem:s23+$0x4F0];
	v22 =	vadd.f32 v17, v16;
	v11 =	vmul.f32 v13, v11;
	v23 =	vmul.f32 v18, v14  }
0x13d: {  	(xrf2) =	vadd.scan.msk.f32 $0xffff, v15;
	v25 =	vld [tilespmem:s23+$0x44F0];
	v8 =	vadd.f32 v62, v8  }
0x13e: {  	v26 =	vld [tilespmem:s23+$0x4540];
	(xrf2) =	vadd.scan.msk.f32 $0xffff, v22;
	v11 =	vadd.f32 v23, v11  }
0x13f: {  	v28 =	vld [tilespmem:s23+$0x550];
	(xrf2) =	vadd.scan.msk.f32 $0xffff, v8;
	v7 =	vmul.f32 v19, v7;
	v27 =	vmul.f32 v21, v20  }
0x140: {  	v29 =	vld [tilespmem:s23+$0x4550];
	(xrf2) =	vadd.scan.msk.f32 $0xffff, v11  }
0x141: {  	v30 =	vld [tilespmem:s23+$0x45A0];
	v7 =	vadd.f32 v27, v7  }
0x142: {  	v31 =	vld [tilespmem:s23+$0x5B0];
	v4 =	vmul.f32 v63, v4;
	v9 =	vmul.f32 v25, v24  }
0x143: {  	v32 =	vld [tilespmem:s23+$0x45B0];
	(xrf2) =	vadd.scan.msk.f32 $0xffff, v7  }
0x144: {  	v34 =	vld [tilespmem:s23+$0x5E0];
	v33, _, _ =	vpop (xrf2);
	v4 =	vadd.f32 v9, v4  }
0x145: {  	v37 =	vld [tilespmem:s23+$0x45E0];
	v35, _, _ =	vpop (xrf2);
	v1 =	vmul.f32 v26, v1;
	v36 =	vmul.f32 v29, v28  }
0x146: {  	v39 =	vld [tilespmem:s23+$0x5F0];
	v38, _, _ =	vpop (xrf2);
	(xrf2) =	vadd.scan.msk.f32 $0xffff, v4  }
0x147: {  	v41 =	vld [tilespmem:s23+$0x45F0];
	v1 =	vadd.f32 v36, v1;
	v40, _, _ =	vpop (xrf2)  }
0x148: {  	v0 =	vmul.f32 v30, v0;
	v43 =	vmul.f32 v32, v31;
	v42, _, _ =	vpop (xrf2)  }
0x149: {  	(xrf2) =	vadd.scan.msk.f32 $0xffff, v1;
	v44, _, _ =	vpop (xrf2)  }
0x14a: {  	v45 =	vmul.f32 v37, v34;
	v0 =	vadd.f32 v43, v0;
	v46, _, _ =	vpop (xrf2)  }
0x14b: {  	v47 =	vbroadcast v44, $0xF;
	v8 =	vbroadcast v46, $0xF  }
0x14c: {  	v49 =	vmul.f32 v41, v39;
	(xrf2) =	vadd.scan.msk.f32 $0xffff, v0;
	v48 =	vbroadcast v42, $0xF  }
0x14d: {  	v4 =	vbroadcast v40, $0xF;
	v51, _, _ =	vpop (xrf2);
	v50 =	vsel vm0, v47, v8  }
0x14e: {  	v1 =	vadd.f32 v49, v45;
	v8 =	vbroadcast v51, $0xF;
	v0 =	vsel vm1, v50, v48  }
0x14f: {  	v52 =	vbroadcast v38, $0xF;
	v0 =	vsel vm2, v0, v4  }
0x150: {  	v53 =	vbroadcast v35, $0xF;
	v54, _, _ =	vpop (xrf2);
	(xrf2) =	vadd.scan.msk.f32 $0xffff, v1;
	v0 =	vsel vm3, v0, v8  }
0x151: {  	v55 =	vbroadcast v54, $0xF;
	v0 =	vsel vm4, v0, v52  }
0x152: {  	v56 =	vbroadcast v33, $0xF;
	v0 =	vsel vm5, v0, v53  }
0x153: {  	v57 =	vbroadcast v6, $0xF;
	v58, _, _ =	vpop (xrf2);
	v0 =	vsel vm6, v0, v55  }
0x154: {  	v59 =	vbroadcast v58, $0xF;
	v0 =	vsel vm7, v0, v56  }
0x155: {  	v60 =	vbroadcast v5, $0xF;
	v0 =	vsel vm8, v0, v57  }
0x156: {  	v3 =	vbroadcast v3, $0xF;
	v61, _, _ =	vpop (xrf2);
	v0 =	vsel vm9, v0, v59  }
0x157: {  	v62 =	vbroadcast v61, $0xF;
	v0 =	vsel vm10, v0, v60  }
0x158: {  	v2 =	vbroadcast v2, $0xF;
	v0 =	vsel vm11, v0, v3  }
0x159: {  	v0 =	vsel vm12, v0, v62  }
0x15a: {  	s1 =	sadd.s32 $0x1, s1;
	v63, _, _ =	vpop (xrf2);
	v0 =	vsel vm13, v0, v2  }
0x15b: {  	s22 =	sadd.s32 $0x10, s22;
	p0 =	sne.s32 s1, s13;
	v0 =	vsel vm14, v0, v63  }
.Ltmp1:
0x15c: {  	[tilespmem:s22+$0x0] =	vst v0;
	(pc) =	sbr.rel @p0 .LBB2_1-.Ltmp1, $4  }
0x15d: {  	[hbm4b:s12+s2] =	stream.linear.scatter [tilespmem:s0], [sflag:$0x2], $0x200, $0x38;
	[tilespmem:$0x8600] =	vst v63  }
0x15e: {  	_ =	swait.ge [sflag:s14], $0x200  }
0x15f: {  	[sflag:s14] =	ssyncset.done $0x0  }
0x160: {  	[sflag:s14] =	ssyncadd.s32 $0xFFFFFE00  }
0x161: {  	_ =	sfence.sel $0x180000  }
0x162: {  	[bflag:$0x0] =	sbarrier.arrive $0xFFFF  }
0x163: {  	_ =	strace $0x90000047  }
0x164: {  	s0 =	stileid.u32;
	[bflag:$0x2] =	sbarrier.arrive $0xFFFF  }
0x165: {  	p0 =	sne.s32 s0, $0x0;
	s0 =	rddreg [dreg:$0x4]  }
0x166: {  	s0 =	sadd.s32 @!p0 $0x100000, s0  }
0x167: {  	[sflag:s0] =	ssyncadd.tile.s32 @!p0 $0x1;
	_ =	shalt  }
.Lfunc_end2:
_tile_overlayer_lowered:
.L_overlay_start_2:
0x168: {  	(tag) =	ssettag $0x2  }
0x169: {  	s0 =	rddreg [dreg:$0x0];
	s2 =	stileid.u32  }
0x16a: {  	s1 =	rddreg [dreg:$0x1];
	p0 =	sne.s32 s2, $0x0  }
0x16b: {  	s3 =	rddreg [dreg:$0x2];
	[bflag:$0x3] =	sbarrier.arrive $0xFFFF;
	s2 =	simm.s32 @!p0 $0x1C02  }
0x16c: {  	[timem:s3], [sflag:s2] =	dma.local @!p0 [hbm:s0], s1  }
0x16d: {  	s0 =	simm.s32 @!p0 $0x2  }
0x16e: {  	_ =	swait.ge @!p0 [sflag:s0], s1  }
0x16f: {  	s1 =	ssub.s32 @!p0 $0x0, s1;
	[sflag:s0] =	ssyncset.done @!p0 $0x0  }
0x170: {  	[sflag:s0] =	ssyncadd.s32 @!p0 s1  }
0x171: {  	[bflag:$0x3] =	sbarrier.arrive $0xFFFF  }
0x172: {  	_ =	shalt  }

</sc_bundles>
